<compile_context>
chip_gen: v7x
topology: tpu7x:2x2x1
jax: 0.10.2.dev20260603
libtpu: 0.0.44.dev20260713+nightly
codegen_flags: <defaults>
</compile_context>

<pallas_src>
import jax
import jax.numpy as jnp
from jax import lax
from jax.experimental import pallas as pl
from jax.experimental.pallas import tpu as pltpu
from jax.experimental.pallas import tpu_sc as plsc

NC, NS = 2, 16
NW = NC * NS
KR = 6
KS = 3
LG = 6
H, D, LANES = 200, 64, 128
TW = 64
SLP = 129
TRS, RS = 8, 8


def _emb_body(idx_hbm, tbl_hbm, out_hbm, idx_v, rows_v, slab_v, gsem, osem):
    w = lax.axis_index("s") * NC + lax.axis_index("c")
    iota = lax.iota(jnp.int32, 16)

    pltpu.sync_copy(idx_hbm.at[:, w], idx_v)

    def start_gather(h, b):
        tr8, r8 = h // RS, h % RS
        pltpu.async_copy(tbl_hbm.at[idx_v.at[tr8, r8]], rows_v.at[b],
                         gsem.at[b])

    def wait_gather(b):
        pltpu.make_async_copy(tbl_hbm.at[idx_v.at[0, 0]], rows_v.at[b],
                              gsem.at[b]).wait()

    def transpose_step(rb, sb):
        @plsc.parallel_loop(0, LANES, unroll=4)
        def _(b):
            bv = jnp.full((16,), 0, jnp.int32) + b
            for f0 in range(0, D, 16):
                v = rows_v[rb, b, pl.ds(f0, 16)]
                plsc.store_scatter(slab_v.at[sb],
                                   [(f0 + iota) // RS, (f0 + iota) % RS, bv],
                                   v)

    def start_out(h, sb):
        def tr_body(tr, carry):
            pltpu.async_copy(slab_v.at[sb, tr, :, pl.ds(0, LANES)],
                             out_hbm.at[h, tr, w], osem.at[sb])
            return carry

        lax.fori_loop(0, TRS, tr_body, 0)

    def wait_out(sb):
        def tr_body(tr, carry):
            pltpu.make_async_copy(slab_v.at[sb, tr, :, pl.ds(0, LANES)],
                                  out_hbm.at[0, tr, w], osem.at[sb]).wait()
            return carry

        lax.fori_loop(0, TRS, tr_body, 0)

    for b in range(LG):
        start_gather(b, b)

    def step(h, carry):
        rb = h % KR
        sb = h % KS

        @pl.when(h >= KS)
        def _():
            wait_out(sb)

        wait_gather(rb)
        transpose_step(rb, sb)

        @pl.when(h + LG < H)
        def _():
            start_gather(h + LG, rb)

        start_out(h, sb)
        return carry

    lax.fori_loop(0, H, step, 0)
    for k in range(KS):
        wait_out((H - KS + k) % KS)


def kernel(indices, table):
    B, _ = indices.shape
    idx4 = ((indices.astype(jnp.int32) * 2).T
            .reshape(H // RS, RS, NW, LANES).transpose(0, 2, 1, 3))
    tbl2 = jnp.concatenate([table, jnp.zeros_like(table)],
                           axis=1).reshape(2 * table.shape[0], D)

    run = pl.kernel(
        _emb_body,
        out_type=jax.ShapeDtypeStruct((H, TRS, NW, RS, LANES), jnp.float32),
        mesh=plsc.VectorSubcoreMesh(core_axis_name="c", subcore_axis_name="s"),
        compiler_params=pltpu.CompilerParams(use_tc_tiling_on_sc=False,
                                             needs_layout_passes=False),
        scratch_types=[
            pltpu.VMEM((H // RS, RS, LANES), jnp.int32),
            pltpu.VMEM((KR, LANES, TW), jnp.float32),
            pltpu.VMEM((KS, TRS, RS, SLP), jnp.float32),
            pltpu.SemaphoreType.DMA((KR,)),
            pltpu.SemaphoreType.DMA((KS,)),
        ],
    )
    out6 = run(idx4, tbl2)
    return out6.transpose(2, 4, 0, 1, 3).reshape(B, H, D)

# --- scband reference (transcript-rebuilt; emitter-appended) ---
"""Pipeline reference for scband-categorical-embedding-11338713662175 (READ-ONLY COPY).

The authoritative reference and input builder live on the scoring server;
editing this copy changes nothing except your own understanding.
"""

import jax, jax.numpy as jnp
import numpy as np

VOCAB = 1000000
EMBED_DIM = 64
PADDING_IDX = 1000000  # == cardinality; table has cardinality + 1 rows
BATCH = 4096
HIST = 200


def setup_inputs(seed: int = 0) -> dict:
    key = jax.random.key(seed)
    k_idx, k_w = jax.random.split(key)
    indices = jax.random.randint(k_idx, (BATCH, HIST), 0, VOCAB, dtype=jnp.int64)
    # Embedding table: cardinality + 1 rows (extra row for padding), padding row zeroed
    # to match torch.nn.Embedding(padding_idx=...) initialization semantics.
    table = jax.random.normal(k_w, (VOCAB + 1, EMBED_DIM), dtype=jnp.float32)
    table = table.at[PADDING_IDX].set(0.0)
    return {"indices": indices, "table": table}


def reference(indices, table):
    # Plain categorical (non-list) embedding lookup: emb(indices)
    # gather rows of the table -> [B, L, D]
    return jnp.take(table, indices, axis=0)

if __name__ == "__main__":
    import jax
    _d = setup_inputs()
    print(jax.jit(kernel)(*tuple(_d.values())))

</pallas_src>

<mosaic_0001>
#map = affine_map<(d0, d1) -> (0, 0, 0, 0)>
#map1 = affine_map<(d0, d1) -> (0, 0)>
#map2 = affine_map<(d0, d1) -> (0, 0, 0, 0, 0)>
module attributes {stable_mosaic.version = 14 : i64} {
  func.func @_emb_body(%arg0: i32, %arg1: i32, %arg2: memref<25x32x8x128xi32, #tpu.memory_space<hbm>>, %arg3: memref<2000002x64xf32, #tpu.memory_space<hbm>>, %arg4: memref<200x8x32x8x128xf32, #tpu.memory_space<hbm>>, %arg5: memref<25x8x128xi32, #tpu.memory_space<vmem>>, %arg6: memref<6x128x64xf32, #tpu.memory_space<vmem>>, %arg7: memref<3x8x8x129xf32, #tpu.memory_space<vmem>>, %arg8: memref<6x!tpu.dma_semaphore, #tpu.memory_space<semaphore_mem>>, %arg9: memref<3x!tpu.dma_semaphore, #tpu.memory_space<semaphore_mem>>) attributes {dimension_semantics = [#tpu.dimension_semantics<core_parallel>, #tpu.dimension_semantics<subcore_parallel>], iteration_bounds = array<i64: 2, 16>, scalar_prefetch = 0 : i64, scratch_operands = 5 : i64, tpu.core_type = #tpu.core_type<sc_vector_subcore>, window_params = [{transform_indices = #map}, {transform_indices = #map1}, {transform_indices = #map2}]} {
    %mul3A = arith.constant 2 : i32
    %mul3A_0 = arith.muli %arg1, %mul3A : i32
    %add3A = arith.addi %mul3A_0, %arg0 : i32
    %iota3A = tpu.iota {dimensions = array<i32: 0>} : vector<16xi32>
    "tpu.region"() ({
      %run_scoped3A = tpu.sem_alloc : memref<!tpu.dma_semaphore, #tpu.memory_space<semaphore_mem>>
      %dma_start3A_119 = arith.constant 0 : i32
      %dma_start3A_120 = arith.constant 0 : i32
      %dma_start3A_121 = arith.constant 0 : i32
      %dma_start3A_122 = tpu.memref_slice %arg2[%dma_start3A_119, %add3A, %dma_start3A_120, %dma_start3A_121] : memref<25x32x8x128xi32, #tpu.memory_space<hbm>> -> memref<25x1x8x128xi32, #tpu.memory_space<hbm>>
      %dma_start3A_123 = tpu.memref_squeeze %dma_start3A_122 : memref<25x1x8x128xi32, #tpu.memory_space<hbm>> -> memref<25x8x128xi32, #tpu.memory_space<hbm>>
      %dma_start3A_124 = arith.constant 0 : i32
      %dma_start3A_125 = arith.constant 0 : i32
      %dma_start3A_126 = arith.constant 0 : i32
      %dma_start3A_127 = tpu.memref_slice %arg2[%dma_start3A_124, %add3A, %dma_start3A_125, %dma_start3A_126] : memref<25x32x8x128xi32, #tpu.memory_space<hbm>> -> memref<25x1x8x128xi32, #tpu.memory_space<hbm>>
      %dma_start3A_128 = tpu.memref_squeeze %dma_start3A_127 : memref<25x1x8x128xi32, #tpu.memory_space<hbm>> -> memref<25x8x128xi32, #tpu.memory_space<hbm>>
      tpu.enqueue_dma source(%dma_start3A_128 : memref<25x8x128xi32, #tpu.memory_space<hbm>>) target(%arg5 : memref<25x8x128xi32, #tpu.memory_space<vmem>>) target_semaphore(%run_scoped3A : memref<!tpu.dma_semaphore, #tpu.memory_space<semaphore_mem>>)
      %dma_wait3A = arith.constant 0 : i32
      %dma_wait3A_129 = arith.constant 0 : i32
      %dma_wait3A_130 = arith.constant 0 : i32
      %dma_wait3A_131 = tpu.memref_slice %arg2[%dma_wait3A, %add3A, %dma_wait3A_129, %dma_wait3A_130] : memref<25x32x8x128xi32, #tpu.memory_space<hbm>> -> memref<25x1x8x128xi32, #tpu.memory_space<hbm>>
      %dma_wait3A_132 = tpu.memref_squeeze %dma_wait3A_131 : memref<25x1x8x128xi32, #tpu.memory_space<hbm>> -> memref<25x8x128xi32, #tpu.memory_space<hbm>>
      %dma_wait3A_133 = arith.constant 0 : i32
      %dma_wait3A_134 = arith.constant 0 : i32
      %dma_wait3A_135 = arith.constant 0 : i32
      %dma_wait3A_136 = tpu.memref_slice %arg2[%dma_wait3A_133, %add3A, %dma_wait3A_134, %dma_wait3A_135] : memref<25x32x8x128xi32, #tpu.memory_space<hbm>> -> memref<25x1x8x128xi32, #tpu.memory_space<hbm>>
      %dma_wait3A_137 = tpu.memref_squeeze %dma_wait3A_136 : memref<25x1x8x128xi32, #tpu.memory_space<hbm>> -> memref<25x8x128xi32, #tpu.memory_space<hbm>>
      tpu.wait_dma2 semaphore(%run_scoped3A : memref<!tpu.dma_semaphore, #tpu.memory_space<semaphore_mem>>) src(%dma_wait3A_137 : memref<25x8x128xi32, #tpu.memory_space<hbm>>) dst(%arg5 : memref<25x8x128xi32, #tpu.memory_space<vmem>>)
      tpu.yield
    }) : () -> ()
    %dma_start3A = arith.constant 0 : i32
    %dma_start3A_1 = arith.constant 0 : i32
    %dma_start3A_2 = arith.constant 0 : i32
    %dma_start3A_3 = arith.constant 0 : i32
    %dma_start3A_4 = arith.constant 0 : i32
    %dma_start3A_5 = arith.constant 0 : i32
    %dma_start3A_6 = tpu.memref_slice %arg6[%dma_start3A_2, %dma_start3A_4, %dma_start3A_5] : memref<6x128x64xf32, #tpu.memory_space<vmem>> -> memref<1x128x64xf32, #tpu.memory_space<vmem>>
    %dma_start3A_7 = tpu.memref_squeeze %dma_start3A_6 : memref<1x128x64xf32, #tpu.memory_space<vmem>> -> memref<128x64xf32, #tpu.memory_space<vmem>>
    %dma_start3A_8 = arith.constant 0 : i32
    %dma_start3A_9 = tpu.memref_slice %arg5[%dma_start3A, %dma_start3A_1, %dma_start3A_8] : memref<25x8x128xi32, #tpu.memory_space<vmem>> -> memref<1x1x128xi32, #tpu.memory_space<vmem>>
    %dma_start3A_10 = tpu.memref_squeeze %dma_start3A_9 : memref<1x1x128xi32, #tpu.memory_space<vmem>> -> memref<128xi32, #tpu.memory_space<vmem>>
    %dma_start3A_11 = arith.constant 0 : i32
    %dma_start3A_12 = arith.constant 0 : i32
    %dma_start3A_13 = tpu.memref_slice %arg3[%dma_start3A_11, %dma_start3A_12] : memref<2000002x64xf32, #tpu.memory_space<hbm>> -> memref<2000002x64xf32, #tpu.memory_space<hbm>>
    %dma_start3A_14 = tpu.memref_slice %arg8[%dma_start3A_3] : memref<6x!tpu.dma_semaphore, #tpu.memory_space<semaphore_mem>> -> memref<1x!tpu.dma_semaphore, #tpu.memory_space<semaphore_mem>>
    %dma_start3A_15 = tpu.memref_squeeze %dma_start3A_14 : memref<1x!tpu.dma_semaphore, #tpu.memory_space<semaphore_mem>> -> memref<!tpu.dma_semaphore, #tpu.memory_space<semaphore_mem>>
    tpu.enqueue_indirect_dma source(%dma_start3A_13 : memref<2000002x64xf32, #tpu.memory_space<hbm>>) target(%dma_start3A_7 : memref<128x64xf32, #tpu.memory_space<vmem>>) offsets(%dma_start3A_10 : memref<128xi32, #tpu.memory_space<vmem>>) semaphore(%dma_start3A_15 : memref<!tpu.dma_semaphore, #tpu.memory_space<semaphore_mem>>)
    %dma_start3A_16 = arith.constant 0 : i32
    %dma_start3A_17 = arith.constant 1 : i32
    %dma_start3A_18 = arith.constant 1 : i32
    %dma_start3A_19 = arith.constant 1 : i32
    %dma_start3A_20 = arith.constant 0 : i32
    %dma_start3A_21 = arith.constant 0 : i32
    %dma_start3A_22 = tpu.memref_slice %arg6[%dma_start3A_18, %dma_start3A_20, %dma_start3A_21] : memref<6x128x64xf32, #tpu.memory_space<vmem>> -> memref<1x128x64xf32, #tpu.memory_space<vmem>>
    %dma_start3A_23 = tpu.memref_squeeze %dma_start3A_22 : memref<1x128x64xf32, #tpu.memory_space<vmem>> -> memref<128x64xf32, #tpu.memory_space<vmem>>
    %dma_start3A_24 = arith.constant 0 : i32
    %dma_start3A_25 = tpu.memref_slice %arg5[%dma_start3A_16, %dma_start3A_17, %dma_start3A_24] : memref<25x8x128xi32, #tpu.memory_space<vmem>> -> memref<1x1x128xi32, #tpu.memory_space<vmem>>
    %dma_start3A_26 = tpu.memref_squeeze %dma_start3A_25 : memref<1x1x128xi32, #tpu.memory_space<vmem>> -> memref<128xi32, #tpu.memory_space<vmem>>
    %dma_start3A_27 = arith.constant 0 : i32
    %dma_start3A_28 = arith.constant 0 : i32
    %dma_start3A_29 = tpu.memref_slice %arg3[%dma_start3A_27, %dma_start3A_28] : memref<2000002x64xf32, #tpu.memory_space<hbm>> -> memref<2000002x64xf32, #tpu.memory_space<hbm>>
    %dma_start3A_30 = tpu.memref_slice %arg8[%dma_start3A_19] : memref<6x!tpu.dma_semaphore, #tpu.memory_space<semaphore_mem>> -> memref<1x!tpu.dma_semaphore, #tpu.memory_space<semaphore_mem>>
    %dma_start3A_31 = tpu.memref_squeeze %dma_start3A_30 : memref<1x!tpu.dma_semaphore, #tpu.memory_space<semaphore_mem>> -> memref<!tpu.dma_semaphore, #tpu.memory_space<semaphore_mem>>
    tpu.enqueue_indirect_dma source(%dma_start3A_29 : memref<2000002x64xf32, #tpu.memory_space<hbm>>) target(%dma_start3A_23 : memref<128x64xf32, #tpu.memory_space<vmem>>) offsets(%dma_start3A_26 : memref<128xi32, #tpu.memory_space<vmem>>) semaphore(%dma_start3A_31 : memref<!tpu.dma_semaphore, #tpu.memory_space<semaphore_mem>>)
    %dma_start3A_32 = arith.constant 0 : i32
    %dma_start3A_33 = arith.constant 2 : i32
    %dma_start3A_34 = arith.constant 2 : i32
    %dma_start3A_35 = arith.constant 2 : i32
    %dma_start3A_36 = arith.constant 0 : i32
    %dma_start3A_37 = arith.constant 0 : i32
    %dma_start3A_38 = tpu.memref_slice %arg6[%dma_start3A_34, %dma_start3A_36, %dma_start3A_37] : memref<6x128x64xf32, #tpu.memory_space<vmem>> -> memref<1x128x64xf32, #tpu.memory_space<vmem>>
    %dma_start3A_39 = tpu.memref_squeeze %dma_start3A_38 : memref<1x128x64xf32, #tpu.memory_space<vmem>> -> memref<128x64xf32, #tpu.memory_space<vmem>>
    %dma_start3A_40 = arith.constant 0 : i32
    %dma_start3A_41 = tpu.memref_slice %arg5[%dma_start3A_32, %dma_start3A_33, %dma_start3A_40] : memref<25x8x128xi32, #tpu.memory_space<vmem>> -> memref<1x1x128xi32, #tpu.memory_space<vmem>>
    %dma_start3A_42 = tpu.memref_squeeze %dma_start3A_41 : memref<1x1x128xi32, #tpu.memory_space<vmem>> -> memref<128xi32, #tpu.memory_space<vmem>>
    %dma_start3A_43 = arith.constant 0 : i32
    %dma_start3A_44 = arith.constant 0 : i32
    %dma_start3A_45 = tpu.memref_slice %arg3[%dma_start3A_43, %dma_start3A_44] : memref<2000002x64xf32, #tpu.memory_space<hbm>> -> memref<2000002x64xf32, #tpu.memory_space<hbm>>
    %dma_start3A_46 = tpu.memref_slice %arg8[%dma_start3A_35] : memref<6x!tpu.dma_semaphore, #tpu.memory_space<semaphore_mem>> -> memref<1x!tpu.dma_semaphore, #tpu.memory_space<semaphore_mem>>
    %dma_start3A_47 = tpu.memref_squeeze %dma_start3A_46 : memref<1x!tpu.dma_semaphore, #tpu.memory_space<semaphore_mem>> -> memref<!tpu.dma_semaphore, #tpu.memory_space<semaphore_mem>>
    tpu.enqueue_indirect_dma source(%dma_start3A_45 : memref<2000002x64xf32, #tpu.memory_space<hbm>>) target(%dma_start3A_39 : memref<128x64xf32, #tpu.memory_space<vmem>>) offsets(%dma_start3A_42 : memref<128xi32, #tpu.memory_space<vmem>>) semaphore(%dma_start3A_47 : memref<!tpu.dma_semaphore, #tpu.memory_space<semaphore_mem>>)
    %dma_start3A_48 = arith.constant 0 : i32
    %dma_start3A_49 = arith.constant 3 : i32
    %dma_start3A_50 = arith.constant 3 : i32
    %dma_start3A_51 = arith.constant 3 : i32
    %dma_start3A_52 = arith.constant 0 : i32
    %dma_start3A_53 = arith.constant 0 : i32
    %dma_start3A_54 = tpu.memref_slice %arg6[%dma_start3A_50, %dma_start3A_52, %dma_start3A_53] : memref<6x128x64xf32, #tpu.memory_space<vmem>> -> memref<1x128x64xf32, #tpu.memory_space<vmem>>
    %dma_start3A_55 = tpu.memref_squeeze %dma_start3A_54 : memref<1x128x64xf32, #tpu.memory_space<vmem>> -> memref<128x64xf32, #tpu.memory_space<vmem>>
    %dma_start3A_56 = arith.constant 0 : i32
    %dma_start3A_57 = tpu.memref_slice %arg5[%dma_start3A_48, %dma_start3A_49, %dma_start3A_56] : memref<25x8x128xi32, #tpu.memory_space<vmem>> -> memref<1x1x128xi32, #tpu.memory_space<vmem>>
    %dma_start3A_58 = tpu.memref_squeeze %dma_start3A_57 : memref<1x1x128xi32, #tpu.memory_space<vmem>> -> memref<128xi32, #tpu.memory_space<vmem>>
    %dma_start3A_59 = arith.constant 0 : i32
    %dma_start3A_60 = arith.constant 0 : i32
    %dma_start3A_61 = tpu.memref_slice %arg3[%dma_start3A_59, %dma_start3A_60] : memref<2000002x64xf32, #tpu.memory_space<hbm>> -> memref<2000002x64xf32, #tpu.memory_space<hbm>>
    %dma_start3A_62 = tpu.memref_slice %arg8[%dma_start3A_51] : memref<6x!tpu.dma_semaphore, #tpu.memory_space<semaphore_mem>> -> memref<1x!tpu.dma_semaphore, #tpu.memory_space<semaphore_mem>>
    %dma_start3A_63 = tpu.memref_squeeze %dma_start3A_62 : memref<1x!tpu.dma_semaphore, #tpu.memory_space<semaphore_mem>> -> memref<!tpu.dma_semaphore, #tpu.memory_space<semaphore_mem>>
    tpu.enqueue_indirect_dma source(%dma_start3A_61 : memref<2000002x64xf32, #tpu.memory_space<hbm>>) target(%dma_start3A_55 : memref<128x64xf32, #tpu.memory_space<vmem>>) offsets(%dma_start3A_58 : memref<128xi32, #tpu.memory_space<vmem>>) semaphore(%dma_start3A_63 : memref<!tpu.dma_semaphore, #tpu.memory_space<semaphore_mem>>)
    %dma_start3A_64 = arith.constant 0 : i32
    %dma_start3A_65 = arith.constant 4 : i32
    %dma_start3A_66 = arith.constant 4 : i32
    %dma_start3A_67 = arith.constant 4 : i32
    %dma_start3A_68 = arith.constant 0 : i32
    %dma_start3A_69 = arith.constant 0 : i32
    %dma_start3A_70 = tpu.memref_slice %arg6[%dma_start3A_66, %dma_start3A_68, %dma_start3A_69] : memref<6x128x64xf32, #tpu.memory_space<vmem>> -> memref<1x128x64xf32, #tpu.memory_space<vmem>>
    %dma_start3A_71 = tpu.memref_squeeze %dma_start3A_70 : memref<1x128x64xf32, #tpu.memory_space<vmem>> -> memref<128x64xf32, #tpu.memory_space<vmem>>
    %dma_start3A_72 = arith.constant 0 : i32
    %dma_start3A_73 = tpu.memref_slice %arg5[%dma_start3A_64, %dma_start3A_65, %dma_start3A_72] : memref<25x8x128xi32, #tpu.memory_space<vmem>> -> memref<1x1x128xi32, #tpu.memory_space<vmem>>
    %dma_start3A_74 = tpu.memref_squeeze %dma_start3A_73 : memref<1x1x128xi32, #tpu.memory_space<vmem>> -> memref<128xi32, #tpu.memory_space<vmem>>
    %dma_start3A_75 = arith.constant 0 : i32
    %dma_start3A_76 = arith.constant 0 : i32
    %dma_start3A_77 = tpu.memref_slice %arg3[%dma_start3A_75, %dma_start3A_76] : memref<2000002x64xf32, #tpu.memory_space<hbm>> -> memref<2000002x64xf32, #tpu.memory_space<hbm>>
    %dma_start3A_78 = tpu.memref_slice %arg8[%dma_start3A_67] : memref<6x!tpu.dma_semaphore, #tpu.memory_space<semaphore_mem>> -> memref<1x!tpu.dma_semaphore, #tpu.memory_space<semaphore_mem>>
    %dma_start3A_79 = tpu.memref_squeeze %dma_start3A_78 : memref<1x!tpu.dma_semaphore, #tpu.memory_space<semaphore_mem>> -> memref<!tpu.dma_semaphore, #tpu.memory_space<semaphore_mem>>
    tpu.enqueue_indirect_dma source(%dma_start3A_77 : memref<2000002x64xf32, #tpu.memory_space<hbm>>) target(%dma_start3A_71 : memref<128x64xf32, #tpu.memory_space<vmem>>) offsets(%dma_start3A_74 : memref<128xi32, #tpu.memory_space<vmem>>) semaphore(%dma_start3A_79 : memref<!tpu.dma_semaphore, #tpu.memory_space<semaphore_mem>>)
    %dma_start3A_80 = arith.constant 0 : i32
    %dma_start3A_81 = arith.constant 5 : i32
    %dma_start3A_82 = arith.constant 5 : i32
    %dma_start3A_83 = arith.constant 5 : i32
    %dma_start3A_84 = arith.constant 0 : i32
    %dma_start3A_85 = arith.constant 0 : i32
    %dma_start3A_86 = tpu.memref_slice %arg6[%dma_start3A_82, %dma_start3A_84, %dma_start3A_85] : memref<6x128x64xf32, #tpu.memory_space<vmem>> -> memref<1x128x64xf32, #tpu.memory_space<vmem>>
    %dma_start3A_87 = tpu.memref_squeeze %dma_start3A_86 : memref<1x128x64xf32, #tpu.memory_space<vmem>> -> memref<128x64xf32, #tpu.memory_space<vmem>>
    %dma_start3A_88 = arith.constant 0 : i32
    %dma_start3A_89 = tpu.memref_slice %arg5[%dma_start3A_80, %dma_start3A_81, %dma_start3A_88] : memref<25x8x128xi32, #tpu.memory_space<vmem>> -> memref<1x1x128xi32, #tpu.memory_space<vmem>>
    %dma_start3A_90 = tpu.memref_squeeze %dma_start3A_89 : memref<1x1x128xi32, #tpu.memory_space<vmem>> -> memref<128xi32, #tpu.memory_space<vmem>>
    %dma_start3A_91 = arith.constant 0 : i32
    %dma_start3A_92 = arith.constant 0 : i32
    %dma_start3A_93 = tpu.memref_slice %arg3[%dma_start3A_91, %dma_start3A_92] : memref<2000002x64xf32, #tpu.memory_space<hbm>> -> memref<2000002x64xf32, #tpu.memory_space<hbm>>
    %dma_start3A_94 = tpu.memref_slice %arg8[%dma_start3A_83] : memref<6x!tpu.dma_semaphore, #tpu.memory_space<semaphore_mem>> -> memref<1x!tpu.dma_semaphore, #tpu.memory_space<semaphore_mem>>
    %dma_start3A_95 = tpu.memref_squeeze %dma_start3A_94 : memref<1x!tpu.dma_semaphore, #tpu.memory_space<semaphore_mem>> -> memref<!tpu.dma_semaphore, #tpu.memory_space<semaphore_mem>>
    tpu.enqueue_indirect_dma source(%dma_start3A_93 : memref<2000002x64xf32, #tpu.memory_space<hbm>>) target(%dma_start3A_87 : memref<128x64xf32, #tpu.memory_space<vmem>>) offsets(%dma_start3A_90 : memref<128xi32, #tpu.memory_space<vmem>>) semaphore(%dma_start3A_95 : memref<!tpu.dma_semaphore, #tpu.memory_space<semaphore_mem>>)
    %scan3A = arith.constant 0 : i32
    %scan3A_96 = arith.constant 0 : i32
    %scan3A_97 = arith.constant 200 : i32
    %scan3A_98 = arith.addi %scan3A_96, %scan3A_97 : i32
    %scan3A_99 = arith.constant 1 : i32
    scf.for %scan3A_119 = %scan3A_96 to %scan3A_98 step %scan3A_99  : i32 {
      %jit3A = arith.constant 6 : i32
      %eq3A = arith.constant 0 : i32
      %eq3A_120 = arith.cmpi eq, %jit3A, %eq3A : i32
      %jit3A_121 = arith.constant 1 : i32
      %select_n3A = arith.select %eq3A_120, %jit3A_121, %jit3A : i32
      %rem3A = arith.remsi %scan3A_119, %select_n3A : i32
      %ne3A = arith.constant 0 : i32
      %ne3A_122 = arith.cmpi ne, %rem3A, %ne3A : i32
      %lt3A = arith.constant 0 : i32
      %lt3A_123 = arith.cmpi slt, %rem3A, %lt3A : i32
      %lt3A_124 = arith.constant 0 : i32
      %lt3A_125 = arith.cmpi slt, %select_n3A, %lt3A_124 : i32
      %ne3A_126 = arith.xori %lt3A_123, %lt3A_125 : i1
      %and3A = arith.andi %ne3A_126, %ne3A_122 : i1
      %add3A_127 = arith.addi %rem3A, %select_n3A : i32
      %select_n3A_128 = arith.select %and3A, %add3A_127, %rem3A : i32
      %jit3A_129 = arith.constant 3 : i32
      %eq3A_130 = arith.constant 0 : i32
      %eq3A_131 = arith.cmpi eq, %jit3A_129, %eq3A_130 : i32
      %jit3A_132 = arith.constant 1 : i32
      %select_n3A_133 = arith.select %eq3A_131, %jit3A_132, %jit3A_129 : i32
      %rem3A_134 = arith.remsi %scan3A_119, %select_n3A_133 : i32
      %ne3A_135 = arith.constant 0 : i32
      %ne3A_136 = arith.cmpi ne, %rem3A_134, %ne3A_135 : i32
      %lt3A_137 = arith.constant 0 : i32
      %lt3A_138 = arith.cmpi slt, %rem3A_134, %lt3A_137 : i32
      %lt3A_139 = arith.constant 0 : i32
      %lt3A_140 = arith.cmpi slt, %select_n3A_133, %lt3A_139 : i32
      %ne3A_141 = arith.xori %lt3A_138, %lt3A_140 : i1
      %and3A_142 = arith.andi %ne3A_141, %ne3A_136 : i1
      %add3A_143 = arith.addi %rem3A_134, %select_n3A_133 : i32
      %select_n3A_144 = arith.select %and3A_142, %add3A_143, %rem3A_134 : i32
      %ge3A = arith.constant 3 : i32
      %ge3A_145 = arith.cmpi sge, %scan3A_119, %ge3A : i32
      %convert_element_type3A = arith.extui %ge3A_145 : i1 to i32
      %cond3A = arith.constant 0 : i32
      %cond3A_146 = arith.cmpi ne, %convert_element_type3A, %cond3A : i32
      scf.if %cond3A_146 {
        %scan3A_175 = arith.constant 0 : i32
        %scan3A_176 = arith.constant 0 : i32
        %scan3A_177 = arith.constant 8 : i32
        %scan3A_178 = arith.addi %scan3A_176, %scan3A_177 : i32
        %scan3A_179 = arith.constant 1 : i32
        scf.for %scan3A_181 = %scan3A_176 to %scan3A_178 step %scan3A_179  : i32 {
          %dma_wait3A_182 = arith.constant 0 : i32
          %dma_wait3A_183 = arith.constant 0 : i32
          %dma_wait3A_184 = arith.constant 0 : i32
          %dma_wait3A_185 = tpu.memref_slice %arg7[%select_n3A_144, %scan3A_181, %dma_wait3A_183, %dma_wait3A_184] : memref<3x8x8x129xf32, #tpu.memory_space<vmem>> -> memref<1x1x8x128xf32, #tpu.memory_space<vmem>>
          %dma_wait3A_186 = tpu.memref_squeeze %dma_wait3A_185 : memref<1x1x8x128xf32, #tpu.memory_space<vmem>> -> memref<8x128xf32, #tpu.memory_space<vmem>>
          %dma_wait3A_187 = arith.constant 0 : i32
          %dma_wait3A_188 = arith.constant 0 : i32
          %dma_wait3A_189 = tpu.memref_slice %arg4[%dma_wait3A_182, %scan3A_181, %add3A, %dma_wait3A_187, %dma_wait3A_188] : memref<200x8x32x8x128xf32, #tpu.memory_space<hbm>> -> memref<1x1x1x8x128xf32, #tpu.memory_space<hbm>>
          %dma_wait3A_190 = tpu.memref_squeeze %dma_wait3A_189 : memref<1x1x1x8x128xf32, #tpu.memory_space<hbm>> -> memref<8x128xf32, #tpu.memory_space<hbm>>
          %dma_wait3A_191 = tpu.memref_slice %arg9[%select_n3A_144] : memref<3x!tpu.dma_semaphore, #tpu.memory_space<semaphore_mem>> -> memref<1x!tpu.dma_semaphore, #tpu.memory_space<semaphore_mem>>
          %dma_wait3A_192 = tpu.memref_squeeze %dma_wait3A_191 : memref<1x!tpu.dma_semaphore, #tpu.memory_space<semaphore_mem>> -> memref<!tpu.dma_semaphore, #tpu.memory_space<semaphore_mem>>
          %dma_wait3A_193 = arith.constant 0 : i32
          %dma_wait3A_194 = arith.constant 0 : i32
          %dma_wait3A_195 = tpu.memref_slice %arg4[%dma_wait3A_182, %scan3A_181, %add3A, %dma_wait3A_193, %dma_wait3A_194] : memref<200x8x32x8x128xf32, #tpu.memory_space<hbm>> -> memref<1x1x1x8x128xf32, #tpu.memory_space<hbm>>
          %dma_wait3A_196 = tpu.memref_squeeze %dma_wait3A_195 : memref<1x1x1x8x128xf32, #tpu.memory_space<hbm>> -> memref<8x128xf32, #tpu.memory_space<hbm>>
          %dma_wait3A_197 = arith.constant 0 : i32
          %dma_wait3A_198 = arith.constant 0 : i32
          %dma_wait3A_199 = tpu.memref_slice %arg7[%select_n3A_144, %scan3A_181, %dma_wait3A_197, %dma_wait3A_198] : memref<3x8x8x129xf32, #tpu.memory_space<vmem>> -> memref<1x1x8x128xf32, #tpu.memory_space<vmem>>
          %dma_wait3A_200 = tpu.memref_squeeze %dma_wait3A_199 : memref<1x1x8x128xf32, #tpu.memory_space<vmem>> -> memref<8x128xf32, #tpu.memory_space<vmem>>
          tpu.wait_dma2 semaphore(%dma_wait3A_192 : memref<!tpu.dma_semaphore, #tpu.memory_space<semaphore_mem>>) src(%dma_wait3A_200 : memref<8x128xf32, #tpu.memory_space<vmem>>) dst(%dma_wait3A_196 : memref<8x128xf32, #tpu.memory_space<hbm>>)
        }
        %scan3A_180 = arith.constant 8 : i32
      } else {
      }
      %dma_wait3A = arith.constant 0 : i32
      %dma_wait3A_147 = arith.constant 0 : i32
      %dma_wait3A_148 = arith.constant 0 : i32
      %dma_wait3A_149 = arith.constant 0 : i32
      %dma_wait3A_150 = tpu.memref_slice %arg6[%select_n3A_128, %dma_wait3A_148, %dma_wait3A_149] : memref<6x128x64xf32, #tpu.memory_space<vmem>> -> memref<1x128x64xf32, #tpu.memory_space<vmem>>
      %dma_wait3A_151 = tpu.memref_squeeze %dma_wait3A_150 : memref<1x128x64xf32, #tpu.memory_space<vmem>> -> memref<128x64xf32, #tpu.memory_space<vmem>>
      %dma_wait3A_152 = arith.constant 0 : i32
      %dma_wait3A_153 = tpu.memref_slice %arg5[%dma_wait3A, %dma_wait3A_147, %dma_wait3A_152] : memref<25x8x128xi32, #tpu.memory_space<vmem>> -> memref<1x1x128xi32, #tpu.memory_space<vmem>>
      %dma_wait3A_154 = tpu.memref_squeeze %dma_wait3A_153 : memref<1x1x128xi32, #tpu.memory_space<vmem>> -> memref<128xi32, #tpu.memory_space<vmem>>
      %dma_wait3A_155 = arith.constant 0 : i32
      %dma_wait3A_156 = arith.constant 0 : i32
      %dma_wait3A_157 = tpu.memref_slice %arg3[%dma_wait3A_155, %dma_wait3A_156] : memref<2000002x64xf32, #tpu.memory_space<hbm>> -> memref<2000002x64xf32, #tpu.memory_space<hbm>>
      %dma_wait3A_158 = tpu.memref_slice %arg8[%select_n3A_128] : memref<6x!tpu.dma_semaphore, #tpu.memory_space<semaphore_mem>> -> memref<1x!tpu.dma_semaphore, #tpu.memory_space<semaphore_mem>>
      %dma_wait3A_159 = tpu.memref_squeeze %dma_wait3A_158 : memref<1x!tpu.dma_semaphore, #tpu.memory_space<semaphore_mem>> -> memref<!tpu.dma_semaphore, #tpu.memory_space<semaphore_mem>>
      tpu.wait_indirect_dma semaphore(%dma_wait3A_159 : memref<!tpu.dma_semaphore, #tpu.memory_space<semaphore_mem>>) src(%dma_wait3A_157 : memref<2000002x64xf32, #tpu.memory_space<hbm>>) dst(%dma_wait3A_151 : memref<128x64xf32, #tpu.memory_space<vmem>>)
      %parallel_loop3A = arith.constant 0 : i32
      %parallel_loop3A_160 = arith.constant 128 : i32
      %parallel_loop3A_161 = arith.constant 1 : i32
      scf.for %parallel_loop3A_175 = %parallel_loop3A to %parallel_loop3A_160 step %parallel_loop3A_161  : i32 {
        %parallel_loop3A_176 = arith.constant 0 : i32
        %parallel_loop3A_177 = vector.broadcast %parallel_loop3A_176 : i32 to vector<16xi32>
        %parallel_loop3A_178 = vector.broadcast %parallel_loop3A_175 : i32 to vector<16xi32>
        %parallel_loop3A_179 = arith.addi %parallel_loop3A_177, %parallel_loop3A_178 : vector<16xi32>
        %parallel_loop3A_180 = arith.index_cast %select_n3A_128 : i32 to index
        %parallel_loop3A_181 = arith.index_cast %parallel_loop3A_175 : i32 to index
        %parallel_loop3A_182 = arith.constant 0 : index
        %parallel_loop3A_183 = tpu.vector_load %arg6[%parallel_loop3A_180, %parallel_loop3A_181, %parallel_loop3A_182] {strides = array<i32>} : memref<6x128x64xf32, #tpu.memory_space<vmem>>, vector<16xf32>,
        %parallel_loop3A_184 = arith.constant 0 : i32
        %parallel_loop3A_185 = vector.broadcast %parallel_loop3A_184 : i32 to vector<16xi32>
        %parallel_loop3A_186 = arith.addi %parallel_loop3A_185, %iota3A : vector<16xi32>
        %parallel_loop3A_187 = arith.constant 8 : i32
        %parallel_loop3A_188 = vector.broadcast %parallel_loop3A_187 : i32 to vector<16xi32>
        %parallel_loop3A_189 = arith.divsi %parallel_loop3A_186, %parallel_loop3A_188 : vector<16xi32>
        %parallel_loop3A_190 = arith.constant 0 : i32
        %parallel_loop3A_191 = vector.broadcast %parallel_loop3A_190 : i32 to vector<16xi32>
        %parallel_loop3A_192 = arith.cmpi sgt, %parallel_loop3A_186, %parallel_loop3A_191 : vector<16xi32>
        %parallel_loop3A_193 = arith.extui %parallel_loop3A_192 : vector<16xi1> to vector<16xi32>
        %parallel_loop3A_194 = arith.constant 0 : i32
        %parallel_loop3A_195 = vector.broadcast %parallel_loop3A_194 : i32 to vector<16xi32>
        %parallel_loop3A_196 = arith.cmpi slt, %parallel_loop3A_186, %parallel_loop3A_195 : vector<16xi32>
        %parallel_loop3A_197 = arith.extui %parallel_loop3A_196 : vector<16xi1> to vector<16xi32>
        %parallel_loop3A_198 = arith.subi %parallel_loop3A_193, %parallel_loop3A_197 : vector<16xi32>
        %parallel_loop3A_199 = arith.constant 0 : i32
        %parallel_loop3A_200 = arith.cmpi sgt, %parallel_loop3A_187, %parallel_loop3A_199 : i32
        %parallel_loop3A_201 = arith.extui %parallel_loop3A_200 : i1 to i32
        %parallel_loop3A_202 = arith.constant 0 : i32
        %parallel_loop3A_203 = arith.cmpi slt, %parallel_loop3A_187, %parallel_loop3A_202 : i32
        %parallel_loop3A_204 = arith.extui %parallel_loop3A_203 : i1 to i32
        %parallel_loop3A_205 = arith.subi %parallel_loop3A_201, %parallel_loop3A_204 : i32
        %parallel_loop3A_206 = vector.broadcast %parallel_loop3A_205 : i32 to vector<16xi32>
        %parallel_loop3A_207 = arith.cmpi ne, %parallel_loop3A_198, %parallel_loop3A_206 : vector<16xi32>
        %parallel_loop3A_208 = vector.broadcast %parallel_loop3A_187 : i32 to vector<16xi32>
        %parallel_loop3A_209 = arith.remsi %parallel_loop3A_186, %parallel_loop3A_208 : vector<16xi32>
        %parallel_loop3A_210 = arith.constant 0 : i32
        %parallel_loop3A_211 = vector.broadcast %parallel_loop3A_210 : i32 to vector<16xi32>
        %parallel_loop3A_212 = arith.cmpi ne, %parallel_loop3A_209, %parallel_loop3A_211 : vector<16xi32>
        %parallel_loop3A_213 = arith.andi %parallel_loop3A_207, %parallel_loop3A_212 : vector<16xi1>
        %parallel_loop3A_214 = arith.constant 1 : i32
        %parallel_loop3A_215 = vector.broadcast %parallel_loop3A_214 : i32 to vector<16xi32>
        %parallel_loop3A_216 = arith.subi %parallel_loop3A_189, %parallel_loop3A_215 : vector<16xi32>
        %parallel_loop3A_217 = arith.select %parallel_loop3A_213, %parallel_loop3A_216, %parallel_loop3A_189 : vector<16xi1>, vector<16xi32>
        %parallel_loop3A_218 = arith.constant 0 : i32
        %parallel_loop3A_219 = vector.broadcast %parallel_loop3A_218 : i32 to vector<16xi32>
        %parallel_loop3A_220 = arith.addi %parallel_loop3A_219, %iota3A : vector<16xi32>
        %parallel_loop3A_221 = arith.constant 8 : i32
        %parallel_loop3A_222 = arith.constant 0 : i32
        %parallel_loop3A_223 = arith.cmpi eq, %parallel_loop3A_221, %parallel_loop3A_222 : i32
        %parallel_loop3A_224 = arith.constant 1 : i32
        %parallel_loop3A_225 = arith.select %parallel_loop3A_223, %parallel_loop3A_224, %parallel_loop3A_221 : i32
        %parallel_loop3A_226 = vector.broadcast %parallel_loop3A_225 : i32 to vector<16xi32>
        %parallel_loop3A_227 = arith.remsi %parallel_loop3A_220, %parallel_loop3A_226 : vector<16xi32>
        %parallel_loop3A_228 = arith.constant 0 : i32
        %parallel_loop3A_229 = vector.broadcast %parallel_loop3A_228 : i32 to vector<16xi32>
        %parallel_loop3A_230 = arith.cmpi ne, %parallel_loop3A_227, %parallel_loop3A_229 : vector<16xi32>
        %parallel_loop3A_231 = arith.constant 0 : i32
        %parallel_loop3A_232 = vector.broadcast %parallel_loop3A_231 : i32 to vector<16xi32>
        %parallel_loop3A_233 = arith.cmpi slt, %parallel_loop3A_227, %parallel_loop3A_232 : vector<16xi32>
        %parallel_loop3A_234 = arith.constant 0 : i32
        %parallel_loop3A_235 = arith.cmpi slt, %parallel_loop3A_225, %parallel_loop3A_234 : i32
        %parallel_loop3A_236 = vector.broadcast %parallel_loop3A_235 : i1 to vector<16xi1>
        %parallel_loop3A_237 = vector.broadcast %parallel_loop3A_236 : vector<16xi1> to vector<16xi1>
        %parallel_loop3A_238 = arith.xori %parallel_loop3A_233, %parallel_loop3A_237 : vector<16xi1>
        %parallel_loop3A_239 = arith.andi %parallel_loop3A_238, %parallel_loop3A_230 : vector<16xi1>
        %parallel_loop3A_240 = vector.broadcast %parallel_loop3A_225 : i32 to vector<16xi32>
        %parallel_loop3A_241 = arith.addi %parallel_loop3A_227, %parallel_loop3A_240 : vector<16xi32>
        %parallel_loop3A_242 = arith.select %parallel_loop3A_239, %parallel_loop3A_241, %parallel_loop3A_227 : vector<16xi1>, vector<16xi32>
        %parallel_loop3A_243 = arith.constant 0 : i32
        %parallel_loop3A_244 = arith.constant 0 : i32
        %parallel_loop3A_245 = arith.constant 0 : i32
        %parallel_loop3A_246 = tpu.memref_slice %arg7[%select_n3A_144, %parallel_loop3A_243, %parallel_loop3A_244, %parallel_loop3A_245] : memref<3x8x8x129xf32, #tpu.memory_space<vmem>> -> memref<1x8x8x129xf32, #tpu.memory_space<vmem>>
        %parallel_loop3A_247 = tpu.memref_squeeze %parallel_loop3A_246 : memref<1x8x8x129xf32, #tpu.memory_space<vmem>> -> memref<8x8x129xf32, #tpu.memory_space<vmem>>
        tpu.vector_store_idx %parallel_loop3A_247[%parallel_loop3A_217, %parallel_loop3A_242, %parallel_loop3A_179], %parallel_loop3A_183 : memref<8x8x129xf32, #tpu.memory_space<vmem>>[vector<16xi32>, vector<16xi32>, vector<16xi32>], vector<16xf32>,
        %parallel_loop3A_248 = arith.index_cast %select_n3A_128 : i32 to index
        %parallel_loop3A_249 = arith.index_cast %parallel_loop3A_175 : i32 to index
        %parallel_loop3A_250 = arith.constant 16 : index
        %parallel_loop3A_251 = tpu.vector_load %arg6[%parallel_loop3A_248, %parallel_loop3A_249, %parallel_loop3A_250] {strides = array<i32>} : memref<6x128x64xf32, #tpu.memory_space<vmem>>, vector<16xf32>,
        %parallel_loop3A_252 = arith.constant 16 : i32
        %parallel_loop3A_253 = vector.broadcast %parallel_loop3A_252 : i32 to vector<16xi32>
        %parallel_loop3A_254 = arith.addi %parallel_loop3A_253, %iota3A : vector<16xi32>
        %parallel_loop3A_255 = arith.constant 8 : i32
        %parallel_loop3A_256 = vector.broadcast %parallel_loop3A_255 : i32 to vector<16xi32>
        %parallel_loop3A_257 = arith.divsi %parallel_loop3A_254, %parallel_loop3A_256 : vector<16xi32>
        %parallel_loop3A_258 = arith.constant 0 : i32
        %parallel_loop3A_259 = vector.broadcast %parallel_loop3A_258 : i32 to vector<16xi32>
        %parallel_loop3A_260 = arith.cmpi sgt, %parallel_loop3A_254, %parallel_loop3A_259 : vector<16xi32>
        %parallel_loop3A_261 = arith.extui %parallel_loop3A_260 : vector<16xi1> to vector<16xi32>
        %parallel_loop3A_262 = arith.constant 0 : i32
        %parallel_loop3A_263 = vector.broadcast %parallel_loop3A_262 : i32 to vector<16xi32>
        %parallel_loop3A_264 = arith.cmpi slt, %parallel_loop3A_254, %parallel_loop3A_263 : vector<16xi32>
        %parallel_loop3A_265 = arith.extui %parallel_loop3A_264 : vector<16xi1> to vector<16xi32>
        %parallel_loop3A_266 = arith.subi %parallel_loop3A_261, %parallel_loop3A_265 : vector<16xi32>
        %parallel_loop3A_267 = arith.constant 0 : i32
        %parallel_loop3A_268 = arith.cmpi sgt, %parallel_loop3A_255, %parallel_loop3A_267 : i32
        %parallel_loop3A_269 = arith.extui %parallel_loop3A_268 : i1 to i32
        %parallel_loop3A_270 = arith.constant 0 : i32
        %parallel_loop3A_271 = arith.cmpi slt, %parallel_loop3A_255, %parallel_loop3A_270 : i32
        %parallel_loop3A_272 = arith.extui %parallel_loop3A_271 : i1 to i32
        %parallel_loop3A_273 = arith.subi %parallel_loop3A_269, %parallel_loop3A_272 : i32
        %parallel_loop3A_274 = vector.broadcast %parallel_loop3A_273 : i32 to vector<16xi32>
        %parallel_loop3A_275 = arith.cmpi ne, %parallel_loop3A_266, %parallel_loop3A_274 : vector<16xi32>
        %parallel_loop3A_276 = vector.broadcast %parallel_loop3A_255 : i32 to vector<16xi32>
        %parallel_loop3A_277 = arith.remsi %parallel_loop3A_254, %parallel_loop3A_276 : vector<16xi32>
        %parallel_loop3A_278 = arith.constant 0 : i32
        %parallel_loop3A_279 = vector.broadcast %parallel_loop3A_278 : i32 to vector<16xi32>
        %parallel_loop3A_280 = arith.cmpi ne, %parallel_loop3A_277, %parallel_loop3A_279 : vector<16xi32>
        %parallel_loop3A_281 = arith.andi %parallel_loop3A_275, %parallel_loop3A_280 : vector<16xi1>
        %parallel_loop3A_282 = arith.constant 1 : i32
        %parallel_loop3A_283 = vector.broadcast %parallel_loop3A_282 : i32 to vector<16xi32>
        %parallel_loop3A_284 = arith.subi %parallel_loop3A_257, %parallel_loop3A_283 : vector<16xi32>
        %parallel_loop3A_285 = arith.select %parallel_loop3A_281, %parallel_loop3A_284, %parallel_loop3A_257 : vector<16xi1>, vector<16xi32>
        %parallel_loop3A_286 = arith.constant 16 : i32
        %parallel_loop3A_287 = vector.broadcast %parallel_loop3A_286 : i32 to vector<16xi32>
        %parallel_loop3A_288 = arith.addi %parallel_loop3A_287, %iota3A : vector<16xi32>
        %parallel_loop3A_289 = arith.constant 8 : i32
        %parallel_loop3A_290 = arith.constant 0 : i32
        %parallel_loop3A_291 = arith.cmpi eq, %parallel_loop3A_289, %parallel_loop3A_290 : i32
        %parallel_loop3A_292 = arith.constant 1 : i32
        %parallel_loop3A_293 = arith.select %parallel_loop3A_291, %parallel_loop3A_292, %parallel_loop3A_289 : i32
        %parallel_loop3A_294 = vector.broadcast %parallel_loop3A_293 : i32 to vector<16xi32>
        %parallel_loop3A_295 = arith.remsi %parallel_loop3A_288, %parallel_loop3A_294 : vector<16xi32>
        %parallel_loop3A_296 = arith.constant 0 : i32
        %parallel_loop3A_297 = vector.broadcast %parallel_loop3A_296 : i32 to vector<16xi32>
        %parallel_loop3A_298 = arith.cmpi ne, %parallel_loop3A_295, %parallel_loop3A_297 : vector<16xi32>
        %parallel_loop3A_299 = arith.constant 0 : i32
        %parallel_loop3A_300 = vector.broadcast %parallel_loop3A_299 : i32 to vector<16xi32>
        %parallel_loop3A_301 = arith.cmpi slt, %parallel_loop3A_295, %parallel_loop3A_300 : vector<16xi32>
        %parallel_loop3A_302 = arith.constant 0 : i32
        %parallel_loop3A_303 = arith.cmpi slt, %parallel_loop3A_293, %parallel_loop3A_302 : i32
        %parallel_loop3A_304 = vector.broadcast %parallel_loop3A_303 : i1 to vector<16xi1>
        %parallel_loop3A_305 = vector.broadcast %parallel_loop3A_304 : vector<16xi1> to vector<16xi1>
        %parallel_loop3A_306 = arith.xori %parallel_loop3A_301, %parallel_loop3A_305 : vector<16xi1>
        %parallel_loop3A_307 = arith.andi %parallel_loop3A_306, %parallel_loop3A_298 : vector<16xi1>
        %parallel_loop3A_308 = vector.broadcast %parallel_loop3A_293 : i32 to vector<16xi32>
        %parallel_loop3A_309 = arith.addi %parallel_loop3A_295, %parallel_loop3A_308 : vector<16xi32>
        %parallel_loop3A_310 = arith.select %parallel_loop3A_307, %parallel_loop3A_309, %parallel_loop3A_295 : vector<16xi1>, vector<16xi32>
        %parallel_loop3A_311 = arith.constant 0 : i32
        %parallel_loop3A_312 = arith.constant 0 : i32
        %parallel_loop3A_313 = arith.constant 0 : i32
        %parallel_loop3A_314 = tpu.memref_slice %arg7[%select_n3A_144, %parallel_loop3A_311, %parallel_loop3A_312, %parallel_loop3A_313] : memref<3x8x8x129xf32, #tpu.memory_space<vmem>> -> memref<1x8x8x129xf32, #tpu.memory_space<vmem>>
        %parallel_loop3A_315 = tpu.memref_squeeze %parallel_loop3A_314 : memref<1x8x8x129xf32, #tpu.memory_space<vmem>> -> memref<8x8x129xf32, #tpu.memory_space<vmem>>
        tpu.vector_store_idx %parallel_loop3A_315[%parallel_loop3A_285, %parallel_loop3A_310, %parallel_loop3A_179], %parallel_loop3A_251 : memref<8x8x129xf32, #tpu.memory_space<vmem>>[vector<16xi32>, vector<16xi32>, vector<16xi32>], vector<16xf32>,
        %parallel_loop3A_316 = arith.index_cast %select_n3A_128 : i32 to index
        %parallel_loop3A_317 = arith.index_cast %parallel_loop3A_175 : i32 to index
        %parallel_loop3A_318 = arith.constant 32 : index
        %parallel_loop3A_319 = tpu.vector_load %arg6[%parallel_loop3A_316, %parallel_loop3A_317, %parallel_loop3A_318] {strides = array<i32>} : memref<6x128x64xf32, #tpu.memory_space<vmem>>, vector<16xf32>,
        %parallel_loop3A_320 = arith.constant 32 : i32
        %parallel_loop3A_321 = vector.broadcast %parallel_loop3A_320 : i32 to vector<16xi32>
        %parallel_loop3A_322 = arith.addi %parallel_loop3A_321, %iota3A : vector<16xi32>
        %parallel_loop3A_323 = arith.constant 8 : i32
        %parallel_loop3A_324 = vector.broadcast %parallel_loop3A_323 : i32 to vector<16xi32>
        %parallel_loop3A_325 = arith.divsi %parallel_loop3A_322, %parallel_loop3A_324 : vector<16xi32>
        %parallel_loop3A_326 = arith.constant 0 : i32
        %parallel_loop3A_327 = vector.broadcast %parallel_loop3A_326 : i32 to vector<16xi32>
        %parallel_loop3A_328 = arith.cmpi sgt, %parallel_loop3A_322, %parallel_loop3A_327 : vector<16xi32>
        %parallel_loop3A_329 = arith.extui %parallel_loop3A_328 : vector<16xi1> to vector<16xi32>
        %parallel_loop3A_330 = arith.constant 0 : i32
        %parallel_loop3A_331 = vector.broadcast %parallel_loop3A_330 : i32 to vector<16xi32>
        %parallel_loop3A_332 = arith.cmpi slt, %parallel_loop3A_322, %parallel_loop3A_331 : vector<16xi32>
        %parallel_loop3A_333 = arith.extui %parallel_loop3A_332 : vector<16xi1> to vector<16xi32>
        %parallel_loop3A_334 = arith.subi %parallel_loop3A_329, %parallel_loop3A_333 : vector<16xi32>
        %parallel_loop3A_335 = arith.constant 0 : i32
        %parallel_loop3A_336 = arith.cmpi sgt, %parallel_loop3A_323, %parallel_loop3A_335 : i32
        %parallel_loop3A_337 = arith.extui %parallel_loop3A_336 : i1 to i32
        %parallel_loop3A_338 = arith.constant 0 : i32
        %parallel_loop3A_339 = arith.cmpi slt, %parallel_loop3A_323, %parallel_loop3A_338 : i32
        %parallel_loop3A_340 = arith.extui %parallel_loop3A_339 : i1 to i32
        %parallel_loop3A_341 = arith.subi %parallel_loop3A_337, %parallel_loop3A_340 : i32
        %parallel_loop3A_342 = vector.broadcast %parallel_loop3A_341 : i32 to vector<16xi32>
        %parallel_loop3A_343 = arith.cmpi ne, %parallel_loop3A_334, %parallel_loop3A_342 : vector<16xi32>
        %parallel_loop3A_344 = vector.broadcast %parallel_loop3A_323 : i32 to vector<16xi32>
        %parallel_loop3A_345 = arith.remsi %parallel_loop3A_322, %parallel_loop3A_344 : vector<16xi32>
        %parallel_loop3A_346 = arith.constant 0 : i32
        %parallel_loop3A_347 = vector.broadcast %parallel_loop3A_346 : i32 to vector<16xi32>
        %parallel_loop3A_348 = arith.cmpi ne, %parallel_loop3A_345, %parallel_loop3A_347 : vector<16xi32>
        %parallel_loop3A_349 = arith.andi %parallel_loop3A_343, %parallel_loop3A_348 : vector<16xi1>
        %parallel_loop3A_350 = arith.constant 1 : i32
        %parallel_loop3A_351 = vector.broadcast %parallel_loop3A_350 : i32 to vector<16xi32>
        %parallel_loop3A_352 = arith.subi %parallel_loop3A_325, %parallel_loop3A_351 : vector<16xi32>
        %parallel_loop3A_353 = arith.select %parallel_loop3A_349, %parallel_loop3A_352, %parallel_loop3A_325 : vector<16xi1>, vector<16xi32>
        %parallel_loop3A_354 = arith.constant 32 : i32
        %parallel_loop3A_355 = vector.broadcast %parallel_loop3A_354 : i32 to vector<16xi32>
        %parallel_loop3A_356 = arith.addi %parallel_loop3A_355, %iota3A : vector<16xi32>
        %parallel_loop3A_357 = arith.constant 8 : i32
        %parallel_loop3A_358 = arith.constant 0 : i32
        %parallel_loop3A_359 = arith.cmpi eq, %parallel_loop3A_357, %parallel_loop3A_358 : i32
        %parallel_loop3A_360 = arith.constant 1 : i32
        %parallel_loop3A_361 = arith.select %parallel_loop3A_359, %parallel_loop3A_360, %parallel_loop3A_357 : i32
        %parallel_loop3A_362 = vector.broadcast %parallel_loop3A_361 : i32 to vector<16xi32>
        %parallel_loop3A_363 = arith.remsi %parallel_loop3A_356, %parallel_loop3A_362 : vector<16xi32>
        %parallel_loop3A_364 = arith.constant 0 : i32
        %parallel_loop3A_365 = vector.broadcast %parallel_loop3A_364 : i32 to vector<16xi32>
        %parallel_loop3A_366 = arith.cmpi ne, %parallel_loop3A_363, %parallel_loop3A_365 : vector<16xi32>
        %parallel_loop3A_367 = arith.constant 0 : i32
        %parallel_loop3A_368 = vector.broadcast %parallel_loop3A_367 : i32 to vector<16xi32>
        %parallel_loop3A_369 = arith.cmpi slt, %parallel_loop3A_363, %parallel_loop3A_368 : vector<16xi32>
        %parallel_loop3A_370 = arith.constant 0 : i32
        %parallel_loop3A_371 = arith.cmpi slt, %parallel_loop3A_361, %parallel_loop3A_370 : i32
        %parallel_loop3A_372 = vector.broadcast %parallel_loop3A_371 : i1 to vector<16xi1>
        %parallel_loop3A_373 = vector.broadcast %parallel_loop3A_372 : vector<16xi1> to vector<16xi1>
        %parallel_loop3A_374 = arith.xori %parallel_loop3A_369, %parallel_loop3A_373 : vector<16xi1>
        %parallel_loop3A_375 = arith.andi %parallel_loop3A_374, %parallel_loop3A_366 : vector<16xi1>
        %parallel_loop3A_376 = vector.broadcast %parallel_loop3A_361 : i32 to vector<16xi32>
        %parallel_loop3A_377 = arith.addi %parallel_loop3A_363, %parallel_loop3A_376 : vector<16xi32>
        %parallel_loop3A_378 = arith.select %parallel_loop3A_375, %parallel_loop3A_377, %parallel_loop3A_363 : vector<16xi1>, vector<16xi32>
        %parallel_loop3A_379 = arith.constant 0 : i32
        %parallel_loop3A_380 = arith.constant 0 : i32
        %parallel_loop3A_381 = arith.constant 0 : i32
        %parallel_loop3A_382 = tpu.memref_slice %arg7[%select_n3A_144, %parallel_loop3A_379, %parallel_loop3A_380, %parallel_loop3A_381] : memref<3x8x8x129xf32, #tpu.memory_space<vmem>> -> memref<1x8x8x129xf32, #tpu.memory_space<vmem>>
        %parallel_loop3A_383 = tpu.memref_squeeze %parallel_loop3A_382 : memref<1x8x8x129xf32, #tpu.memory_space<vmem>> -> memref<8x8x129xf32, #tpu.memory_space<vmem>>
        tpu.vector_store_idx %parallel_loop3A_383[%parallel_loop3A_353, %parallel_loop3A_378, %parallel_loop3A_179], %parallel_loop3A_319 : memref<8x8x129xf32, #tpu.memory_space<vmem>>[vector<16xi32>, vector<16xi32>, vector<16xi32>], vector<16xf32>,
        %parallel_loop3A_384 = arith.index_cast %select_n3A_128 : i32 to index
        %parallel_loop3A_385 = arith.index_cast %parallel_loop3A_175 : i32 to index
        %parallel_loop3A_386 = arith.constant 48 : index
        %parallel_loop3A_387 = tpu.vector_load %arg6[%parallel_loop3A_384, %parallel_loop3A_385, %parallel_loop3A_386] {strides = array<i32>} : memref<6x128x64xf32, #tpu.memory_space<vmem>>, vector<16xf32>,
        %parallel_loop3A_388 = arith.constant 48 : i32
        %parallel_loop3A_389 = vector.broadcast %parallel_loop3A_388 : i32 to vector<16xi32>
        %parallel_loop3A_390 = arith.addi %parallel_loop3A_389, %iota3A : vector<16xi32>
        %parallel_loop3A_391 = arith.constant 8 : i32
        %parallel_loop3A_392 = vector.broadcast %parallel_loop3A_391 : i32 to vector<16xi32>
        %parallel_loop3A_393 = arith.divsi %parallel_loop3A_390, %parallel_loop3A_392 : vector<16xi32>
        %parallel_loop3A_394 = arith.constant 0 : i32
        %parallel_loop3A_395 = vector.broadcast %parallel_loop3A_394 : i32 to vector<16xi32>
        %parallel_loop3A_396 = arith.cmpi sgt, %parallel_loop3A_390, %parallel_loop3A_395 : vector<16xi32>
        %parallel_loop3A_397 = arith.extui %parallel_loop3A_396 : vector<16xi1> to vector<16xi32>
        %parallel_loop3A_398 = arith.constant 0 : i32
        %parallel_loop3A_399 = vector.broadcast %parallel_loop3A_398 : i32 to vector<16xi32>
        %parallel_loop3A_400 = arith.cmpi slt, %parallel_loop3A_390, %parallel_loop3A_399 : vector<16xi32>
        %parallel_loop3A_401 = arith.extui %parallel_loop3A_400 : vector<16xi1> to vector<16xi32>
        %parallel_loop3A_402 = arith.subi %parallel_loop3A_397, %parallel_loop3A_401 : vector<16xi32>
        %parallel_loop3A_403 = arith.constant 0 : i32
        %parallel_loop3A_404 = arith.cmpi sgt, %parallel_loop3A_391, %parallel_loop3A_403 : i32
        %parallel_loop3A_405 = arith.extui %parallel_loop3A_404 : i1 to i32
        %parallel_loop3A_406 = arith.constant 0 : i32
        %parallel_loop3A_407 = arith.cmpi slt, %parallel_loop3A_391, %parallel_loop3A_406 : i32
        %parallel_loop3A_408 = arith.extui %parallel_loop3A_407 : i1 to i32
        %parallel_loop3A_409 = arith.subi %parallel_loop3A_405, %parallel_loop3A_408 : i32
        %parallel_loop3A_410 = vector.broadcast %parallel_loop3A_409 : i32 to vector<16xi32>
        %parallel_loop3A_411 = arith.cmpi ne, %parallel_loop3A_402, %parallel_loop3A_410 : vector<16xi32>
        %parallel_loop3A_412 = vector.broadcast %parallel_loop3A_391 : i32 to vector<16xi32>
        %parallel_loop3A_413 = arith.remsi %parallel_loop3A_390, %parallel_loop3A_412 : vector<16xi32>
        %parallel_loop3A_414 = arith.constant 0 : i32
        %parallel_loop3A_415 = vector.broadcast %parallel_loop3A_414 : i32 to vector<16xi32>
        %parallel_loop3A_416 = arith.cmpi ne, %parallel_loop3A_413, %parallel_loop3A_415 : vector<16xi32>
        %parallel_loop3A_417 = arith.andi %parallel_loop3A_411, %parallel_loop3A_416 : vector<16xi1>
        %parallel_loop3A_418 = arith.constant 1 : i32
        %parallel_loop3A_419 = vector.broadcast %parallel_loop3A_418 : i32 to vector<16xi32>
        %parallel_loop3A_420 = arith.subi %parallel_loop3A_393, %parallel_loop3A_419 : vector<16xi32>
        %parallel_loop3A_421 = arith.select %parallel_loop3A_417, %parallel_loop3A_420, %parallel_loop3A_393 : vector<16xi1>, vector<16xi32>
        %parallel_loop3A_422 = arith.constant 48 : i32
        %parallel_loop3A_423 = vector.broadcast %parallel_loop3A_422 : i32 to vector<16xi32>
        %parallel_loop3A_424 = arith.addi %parallel_loop3A_423, %iota3A : vector<16xi32>
        %parallel_loop3A_425 = arith.constant 8 : i32
        %parallel_loop3A_426 = arith.constant 0 : i32
        %parallel_loop3A_427 = arith.cmpi eq, %parallel_loop3A_425, %parallel_loop3A_426 : i32
        %parallel_loop3A_428 = arith.constant 1 : i32
        %parallel_loop3A_429 = arith.select %parallel_loop3A_427, %parallel_loop3A_428, %parallel_loop3A_425 : i32
        %parallel_loop3A_430 = vector.broadcast %parallel_loop3A_429 : i32 to vector<16xi32>
        %parallel_loop3A_431 = arith.remsi %parallel_loop3A_424, %parallel_loop3A_430 : vector<16xi32>
        %parallel_loop3A_432 = arith.constant 0 : i32
        %parallel_loop3A_433 = vector.broadcast %parallel_loop3A_432 : i32 to vector<16xi32>
        %parallel_loop3A_434 = arith.cmpi ne, %parallel_loop3A_431, %parallel_loop3A_433 : vector<16xi32>
        %parallel_loop3A_435 = arith.constant 0 : i32
        %parallel_loop3A_436 = vector.broadcast %parallel_loop3A_435 : i32 to vector<16xi32>
        %parallel_loop3A_437 = arith.cmpi slt, %parallel_loop3A_431, %parallel_loop3A_436 : vector<16xi32>
        %parallel_loop3A_438 = arith.constant 0 : i32
        %parallel_loop3A_439 = arith.cmpi slt, %parallel_loop3A_429, %parallel_loop3A_438 : i32
        %parallel_loop3A_440 = vector.broadcast %parallel_loop3A_439 : i1 to vector<16xi1>
        %parallel_loop3A_441 = vector.broadcast %parallel_loop3A_440 : vector<16xi1> to vector<16xi1>
        %parallel_loop3A_442 = arith.xori %parallel_loop3A_437, %parallel_loop3A_441 : vector<16xi1>
        %parallel_loop3A_443 = arith.andi %parallel_loop3A_442, %parallel_loop3A_434 : vector<16xi1>
        %parallel_loop3A_444 = vector.broadcast %parallel_loop3A_429 : i32 to vector<16xi32>
        %parallel_loop3A_445 = arith.addi %parallel_loop3A_431, %parallel_loop3A_444 : vector<16xi32>
        %parallel_loop3A_446 = arith.select %parallel_loop3A_443, %parallel_loop3A_445, %parallel_loop3A_431 : vector<16xi1>, vector<16xi32>
        %parallel_loop3A_447 = arith.constant 0 : i32
        %parallel_loop3A_448 = arith.constant 0 : i32
        %parallel_loop3A_449 = arith.constant 0 : i32
        %parallel_loop3A_450 = tpu.memref_slice %arg7[%select_n3A_144, %parallel_loop3A_447, %parallel_loop3A_448, %parallel_loop3A_449] : memref<3x8x8x129xf32, #tpu.memory_space<vmem>> -> memref<1x8x8x129xf32, #tpu.memory_space<vmem>>
        %parallel_loop3A_451 = tpu.memref_squeeze %parallel_loop3A_450 : memref<1x8x8x129xf32, #tpu.memory_space<vmem>> -> memref<8x8x129xf32, #tpu.memory_space<vmem>>
        tpu.vector_store_idx %parallel_loop3A_451[%parallel_loop3A_421, %parallel_loop3A_446, %parallel_loop3A_179], %parallel_loop3A_387 : memref<8x8x129xf32, #tpu.memory_space<vmem>>[vector<16xi32>, vector<16xi32>, vector<16xi32>], vector<16xf32>,
      } {sc.loop_unroll_factor = 4 : i64, sc.parallel_access}
      %add3A_162 = arith.constant 6 : i32
      %add3A_163 = arith.addi %scan3A_119, %add3A_162 : i32
      %lt3A_164 = arith.constant 200 : i32
      %lt3A_165 = arith.cmpi slt, %add3A_163, %lt3A_164 : i32
      %convert_element_type3A_166 = arith.extui %lt3A_165 : i1 to i32
      %cond3A_167 = arith.constant 0 : i32
      %cond3A_168 = arith.cmpi ne, %convert_element_type3A_166, %cond3A_167 : i32
      scf.if %cond3A_168 {
        %add3A_175 = arith.constant 6 : i32
        %add3A_176 = arith.addi %scan3A_119, %add3A_175 : i32
        %jit3A_177 = arith.constant 8 : i32
        %div3A = arith.divsi %add3A_176, %jit3A_177 : i32
        %sign3A = arith.constant 0 : i32
        %sign3A_178 = arith.cmpi sgt, %add3A_176, %sign3A : i32
        %sign3A_179 = arith.extui %sign3A_178 : i1 to i32
        %sign3A_180 = arith.constant 0 : i32
        %sign3A_181 = arith.cmpi slt, %add3A_176, %sign3A_180 : i32
        %sign3A_182 = arith.extui %sign3A_181 : i1 to i32
        %sign3A_183 = arith.subi %sign3A_179, %sign3A_182 : i32
        %sign3A_184 = arith.constant 0 : i32
        %sign3A_185 = arith.cmpi sgt, %jit3A_177, %sign3A_184 : i32
        %sign3A_186 = arith.extui %sign3A_185 : i1 to i32
        %sign3A_187 = arith.constant 0 : i32
        %sign3A_188 = arith.cmpi slt, %jit3A_177, %sign3A_187 : i32
        %sign3A_189 = arith.extui %sign3A_188 : i1 to i32
        %sign3A_190 = arith.subi %sign3A_186, %sign3A_189 : i32
        %ne3A_191 = arith.cmpi ne, %sign3A_183, %sign3A_190 : i32
        %rem3A_192 = arith.remsi %add3A_176, %jit3A_177 : i32
        %ne3A_193 = arith.constant 0 : i32
        %ne3A_194 = arith.cmpi ne, %rem3A_192, %ne3A_193 : i32
        %and3A_195 = arith.andi %ne3A_191, %ne3A_194 : i1
        %sub3A = arith.constant 1 : i32
        %sub3A_196 = arith.subi %div3A, %sub3A : i32
        %select_n3A_197 = arith.select %and3A_195, %sub3A_196, %div3A : i32
        %jit3A_198 = arith.constant 8 : i32
        %eq3A_199 = arith.constant 0 : i32
        %eq3A_200 = arith.cmpi eq, %jit3A_198, %eq3A_199 : i32
        %jit3A_201 = arith.constant 1 : i32
        %select_n3A_202 = arith.select %eq3A_200, %jit3A_201, %jit3A_198 : i32
        %rem3A_203 = arith.remsi %add3A_176, %select_n3A_202 : i32
        %ne3A_204 = arith.constant 0 : i32
        %ne3A_205 = arith.cmpi ne, %rem3A_203, %ne3A_204 : i32
        %lt3A_206 = arith.constant 0 : i32
        %lt3A_207 = arith.cmpi slt, %rem3A_203, %lt3A_206 : i32
        %lt3A_208 = arith.constant 0 : i32
        %lt3A_209 = arith.cmpi slt, %select_n3A_202, %lt3A_208 : i32
        %ne3A_210 = arith.xori %lt3A_207, %lt3A_209 : i1
        %and3A_211 = arith.andi %ne3A_210, %ne3A_205 : i1
        %add3A_212 = arith.addi %rem3A_203, %select_n3A_202 : i32
        %select_n3A_213 = arith.select %and3A_211, %add3A_212, %rem3A_203 : i32
        %dma_start3A_214 = arith.constant 0 : i32
        %dma_start3A_215 = arith.constant 0 : i32
        %dma_start3A_216 = tpu.memref_slice %arg6[%select_n3A_128, %dma_start3A_214, %dma_start3A_215] : memref<6x128x64xf32, #tpu.memory_space<vmem>> -> memref<1x128x64xf32, #tpu.memory_space<vmem>>
        %dma_start3A_217 = tpu.memref_squeeze %dma_start3A_216 : memref<1x128x64xf32, #tpu.memory_space<vmem>> -> memref<128x64xf32, #tpu.memory_space<vmem>>
        %dma_start3A_218 = arith.constant 0 : i32
        %dma_start3A_219 = tpu.memref_slice %arg5[%select_n3A_197, %select_n3A_213, %dma_start3A_218] : memref<25x8x128xi32, #tpu.memory_space<vmem>> -> memref<1x1x128xi32, #tpu.memory_space<vmem>>
        %dma_start3A_220 = tpu.memref_squeeze %dma_start3A_219 : memref<1x1x128xi32, #tpu.memory_space<vmem>> -> memref<128xi32, #tpu.memory_space<vmem>>
        %dma_start3A_221 = arith.constant 0 : i32
        %dma_start3A_222 = arith.constant 0 : i32
        %dma_start3A_223 = tpu.memref_slice %arg3[%dma_start3A_221, %dma_start3A_222] : memref<2000002x64xf32, #tpu.memory_space<hbm>> -> memref<2000002x64xf32, #tpu.memory_space<hbm>>
        %dma_start3A_224 = tpu.memref_slice %arg8[%select_n3A_128] : memref<6x!tpu.dma_semaphore, #tpu.memory_space<semaphore_mem>> -> memref<1x!tpu.dma_semaphore, #tpu.memory_space<semaphore_mem>>
        %dma_start3A_225 = tpu.memref_squeeze %dma_start3A_224 : memref<1x!tpu.dma_semaphore, #tpu.memory_space<semaphore_mem>> -> memref<!tpu.dma_semaphore, #tpu.memory_space<semaphore_mem>>
        tpu.enqueue_indirect_dma source(%dma_start3A_223 : memref<2000002x64xf32, #tpu.memory_space<hbm>>) target(%dma_start3A_217 : memref<128x64xf32, #tpu.memory_space<vmem>>) offsets(%dma_start3A_220 : memref<128xi32, #tpu.memory_space<vmem>>) semaphore(%dma_start3A_225 : memref<!tpu.dma_semaphore, #tpu.memory_space<semaphore_mem>>)
      } else {
      }
      %scan3A_169 = arith.constant 0 : i32
      %scan3A_170 = arith.constant 0 : i32
      %scan3A_171 = arith.constant 8 : i32
      %scan3A_172 = arith.addi %scan3A_170, %scan3A_171 : i32
      %scan3A_173 = arith.constant 1 : i32
      scf.for %scan3A_175 = %scan3A_170 to %scan3A_172 step %scan3A_173  : i32 {
        %dma_start3A_176 = arith.constant 0 : i32
        %dma_start3A_177 = arith.constant 0 : i32
        %dma_start3A_178 = tpu.memref_slice %arg7[%select_n3A_144, %scan3A_175, %dma_start3A_176, %dma_start3A_177] : memref<3x8x8x129xf32, #tpu.memory_space<vmem>> -> memref<1x1x8x128xf32, #tpu.memory_space<vmem>>
        %dma_start3A_179 = tpu.memref_squeeze %dma_start3A_178 : memref<1x1x8x128xf32, #tpu.memory_space<vmem>> -> memref<8x128xf32, #tpu.memory_space<vmem>>
        %dma_start3A_180 = arith.constant 0 : i32
        %dma_start3A_181 = arith.constant 0 : i32
        %dma_start3A_182 = tpu.memref_slice %arg4[%scan3A_119, %scan3A_175, %add3A, %dma_start3A_180, %dma_start3A_181] : memref<200x8x32x8x128xf32, #tpu.memory_space<hbm>> -> memref<1x1x1x8x128xf32, #tpu.memory_space<hbm>>
        %dma_start3A_183 = tpu.memref_squeeze %dma_start3A_182 : memref<1x1x1x8x128xf32, #tpu.memory_space<hbm>> -> memref<8x128xf32, #tpu.memory_space<hbm>>
        %dma_start3A_184 = tpu.memref_slice %arg9[%select_n3A_144] : memref<3x!tpu.dma_semaphore, #tpu.memory_space<semaphore_mem>> -> memref<1x!tpu.dma_semaphore, #tpu.memory_space<semaphore_mem>>
        %dma_start3A_185 = tpu.memref_squeeze %dma_start3A_184 : memref<1x!tpu.dma_semaphore, #tpu.memory_space<semaphore_mem>> -> memref<!tpu.dma_semaphore, #tpu.memory_space<semaphore_mem>>
        %dma_start3A_186 = arith.constant 0 : i32
        %dma_start3A_187 = arith.constant 0 : i32
        %dma_start3A_188 = tpu.memref_slice %arg4[%scan3A_119, %scan3A_175, %add3A, %dma_start3A_186, %dma_start3A_187] : memref<200x8x32x8x128xf32, #tpu.memory_space<hbm>> -> memref<1x1x1x8x128xf32, #tpu.memory_space<hbm>>
        %dma_start3A_189 = tpu.memref_squeeze %dma_start3A_188 : memref<1x1x1x8x128xf32, #tpu.memory_space<hbm>> -> memref<8x128xf32, #tpu.memory_space<hbm>>
        %dma_start3A_190 = arith.constant 0 : i32
        %dma_start3A_191 = arith.constant 0 : i32
        %dma_start3A_192 = tpu.memref_slice %arg7[%select_n3A_144, %scan3A_175, %dma_start3A_190, %dma_start3A_191] : memref<3x8x8x129xf32, #tpu.memory_space<vmem>> -> memref<1x1x8x128xf32, #tpu.memory_space<vmem>>
        %dma_start3A_193 = tpu.memref_squeeze %dma_start3A_192 : memref<1x1x8x128xf32, #tpu.memory_space<vmem>> -> memref<8x128xf32, #tpu.memory_space<vmem>>
        tpu.enqueue_dma source(%dma_start3A_193 : memref<8x128xf32, #tpu.memory_space<vmem>>) target(%dma_start3A_189 : memref<8x128xf32, #tpu.memory_space<hbm>>) target_semaphore(%dma_start3A_185 : memref<!tpu.dma_semaphore, #tpu.memory_space<semaphore_mem>>)
      }
      %scan3A_174 = arith.constant 8 : i32
    }
    %scan3A_100 = arith.constant 200 : i32
    %scan3A_101 = arith.constant 0 : i32
    %scan3A_102 = arith.constant 0 : i32
    %scan3A_103 = arith.constant 8 : i32
    %scan3A_104 = arith.addi %scan3A_102, %scan3A_103 : i32
    %scan3A_105 = arith.constant 1 : i32
    scf.for %scan3A_119 = %scan3A_102 to %scan3A_104 step %scan3A_105  : i32 {
      %dma_wait3A = arith.constant 2 : i32
      %dma_wait3A_120 = arith.constant 0 : i32
      %dma_wait3A_121 = arith.constant 2 : i32
      %dma_wait3A_122 = arith.constant 0 : i32
      %dma_wait3A_123 = arith.constant 0 : i32
      %dma_wait3A_124 = tpu.memref_slice %arg7[%dma_wait3A, %scan3A_119, %dma_wait3A_122, %dma_wait3A_123] : memref<3x8x8x129xf32, #tpu.memory_space<vmem>> -> memref<1x1x8x128xf32, #tpu.memory_space<vmem>>
      %dma_wait3A_125 = tpu.memref_squeeze %dma_wait3A_124 : memref<1x1x8x128xf32, #tpu.memory_space<vmem>> -> memref<8x128xf32, #tpu.memory_space<vmem>>
      %dma_wait3A_126 = arith.constant 0 : i32
      %dma_wait3A_127 = arith.constant 0 : i32
      %dma_wait3A_128 = tpu.memref_slice %arg4[%dma_wait3A_120, %scan3A_119, %add3A, %dma_wait3A_126, %dma_wait3A_127] : memref<200x8x32x8x128xf32, #tpu.memory_space<hbm>> -> memref<1x1x1x8x128xf32, #tpu.memory_space<hbm>>
      %dma_wait3A_129 = tpu.memref_squeeze %dma_wait3A_128 : memref<1x1x1x8x128xf32, #tpu.memory_space<hbm>> -> memref<8x128xf32, #tpu.memory_space<hbm>>
      %dma_wait3A_130 = tpu.memref_slice %arg9[%dma_wait3A_121] : memref<3x!tpu.dma_semaphore, #tpu.memory_space<semaphore_mem>> -> memref<1x!tpu.dma_semaphore, #tpu.memory_space<semaphore_mem>>
      %dma_wait3A_131 = tpu.memref_squeeze %dma_wait3A_130 : memref<1x!tpu.dma_semaphore, #tpu.memory_space<semaphore_mem>> -> memref<!tpu.dma_semaphore, #tpu.memory_space<semaphore_mem>>
      %dma_wait3A_132 = arith.constant 0 : i32
      %dma_wait3A_133 = arith.constant 0 : i32
      %dma_wait3A_134 = tpu.memref_slice %arg4[%dma_wait3A_120, %scan3A_119, %add3A, %dma_wait3A_132, %dma_wait3A_133] : memref<200x8x32x8x128xf32, #tpu.memory_space<hbm>> -> memref<1x1x1x8x128xf32, #tpu.memory_space<hbm>>
      %dma_wait3A_135 = tpu.memref_squeeze %dma_wait3A_134 : memref<1x1x1x8x128xf32, #tpu.memory_space<hbm>> -> memref<8x128xf32, #tpu.memory_space<hbm>>
      %dma_wait3A_136 = arith.constant 0 : i32
      %dma_wait3A_137 = arith.constant 0 : i32
      %dma_wait3A_138 = tpu.memref_slice %arg7[%dma_wait3A, %scan3A_119, %dma_wait3A_136, %dma_wait3A_137] : memref<3x8x8x129xf32, #tpu.memory_space<vmem>> -> memref<1x1x8x128xf32, #tpu.memory_space<vmem>>
      %dma_wait3A_139 = tpu.memref_squeeze %dma_wait3A_138 : memref<1x1x8x128xf32, #tpu.memory_space<vmem>> -> memref<8x128xf32, #tpu.memory_space<vmem>>
      tpu.wait_dma2 semaphore(%dma_wait3A_131 : memref<!tpu.dma_semaphore, #tpu.memory_space<semaphore_mem>>) src(%dma_wait3A_139 : memref<8x128xf32, #tpu.memory_space<vmem>>) dst(%dma_wait3A_135 : memref<8x128xf32, #tpu.memory_space<hbm>>)
    }
    %scan3A_106 = arith.constant 8 : i32
    %scan3A_107 = arith.constant 0 : i32
    %scan3A_108 = arith.constant 0 : i32
    %scan3A_109 = arith.constant 8 : i32
    %scan3A_110 = arith.addi %scan3A_108, %scan3A_109 : i32
    %scan3A_111 = arith.constant 1 : i32
    scf.for %scan3A_119 = %scan3A_108 to %scan3A_110 step %scan3A_111  : i32 {
      %dma_wait3A = arith.constant 0 : i32
      %dma_wait3A_120 = arith.constant 0 : i32
      %dma_wait3A_121 = arith.constant 0 : i32
      %dma_wait3A_122 = arith.constant 0 : i32
      %dma_wait3A_123 = arith.constant 0 : i32
      %dma_wait3A_124 = tpu.memref_slice %arg7[%dma_wait3A, %scan3A_119, %dma_wait3A_122, %dma_wait3A_123] : memref<3x8x8x129xf32, #tpu.memory_space<vmem>> -> memref<1x1x8x128xf32, #tpu.memory_space<vmem>>
      %dma_wait3A_125 = tpu.memref_squeeze %dma_wait3A_124 : memref<1x1x8x128xf32, #tpu.memory_space<vmem>> -> memref<8x128xf32, #tpu.memory_space<vmem>>
      %dma_wait3A_126 = arith.constant 0 : i32
      %dma_wait3A_127 = arith.constant 0 : i32
      %dma_wait3A_128 = tpu.memref_slice %arg4[%dma_wait3A_120, %scan3A_119, %add3A, %dma_wait3A_126, %dma_wait3A_127] : memref<200x8x32x8x128xf32, #tpu.memory_space<hbm>> -> memref<1x1x1x8x128xf32, #tpu.memory_space<hbm>>
      %dma_wait3A_129 = tpu.memref_squeeze %dma_wait3A_128 : memref<1x1x1x8x128xf32, #tpu.memory_space<hbm>> -> memref<8x128xf32, #tpu.memory_space<hbm>>
      %dma_wait3A_130 = tpu.memref_slice %arg9[%dma_wait3A_121] : memref<3x!tpu.dma_semaphore, #tpu.memory_space<semaphore_mem>> -> memref<1x!tpu.dma_semaphore, #tpu.memory_space<semaphore_mem>>
      %dma_wait3A_131 = tpu.memref_squeeze %dma_wait3A_130 : memref<1x!tpu.dma_semaphore, #tpu.memory_space<semaphore_mem>> -> memref<!tpu.dma_semaphore, #tpu.memory_space<semaphore_mem>>
      %dma_wait3A_132 = arith.constant 0 : i32
      %dma_wait3A_133 = arith.constant 0 : i32
      %dma_wait3A_134 = tpu.memref_slice %arg4[%dma_wait3A_120, %scan3A_119, %add3A, %dma_wait3A_132, %dma_wait3A_133] : memref<200x8x32x8x128xf32, #tpu.memory_space<hbm>> -> memref<1x1x1x8x128xf32, #tpu.memory_space<hbm>>
      %dma_wait3A_135 = tpu.memref_squeeze %dma_wait3A_134 : memref<1x1x1x8x128xf32, #tpu.memory_space<hbm>> -> memref<8x128xf32, #tpu.memory_space<hbm>>
      %dma_wait3A_136 = arith.constant 0 : i32
      %dma_wait3A_137 = arith.constant 0 : i32
      %dma_wait3A_138 = tpu.memref_slice %arg7[%dma_wait3A, %scan3A_119, %dma_wait3A_136, %dma_wait3A_137] : memref<3x8x8x129xf32, #tpu.memory_space<vmem>> -> memref<1x1x8x128xf32, #tpu.memory_space<vmem>>
      %dma_wait3A_139 = tpu.memref_squeeze %dma_wait3A_138 : memref<1x1x8x128xf32, #tpu.memory_space<vmem>> -> memref<8x128xf32, #tpu.memory_space<vmem>>
      tpu.wait_dma2 semaphore(%dma_wait3A_131 : memref<!tpu.dma_semaphore, #tpu.memory_space<semaphore_mem>>) src(%dma_wait3A_139 : memref<8x128xf32, #tpu.memory_space<vmem>>) dst(%dma_wait3A_135 : memref<8x128xf32, #tpu.memory_space<hbm>>)
    }
    %scan3A_112 = arith.constant 8 : i32
    %scan3A_113 = arith.constant 0 : i32
    %scan3A_114 = arith.constant 0 : i32
    %scan3A_115 = arith.constant 8 : i32
    %scan3A_116 = arith.addi %scan3A_114, %scan3A_115 : i32
    %scan3A_117 = arith.constant 1 : i32
    scf.for %scan3A_119 = %scan3A_114 to %scan3A_116 step %scan3A_117  : i32 {
      %dma_wait3A = arith.constant 1 : i32
      %dma_wait3A_120 = arith.constant 0 : i32
      %dma_wait3A_121 = arith.constant 1 : i32
      %dma_wait3A_122 = arith.constant 0 : i32
      %dma_wait3A_123 = arith.constant 0 : i32
      %dma_wait3A_124 = tpu.memref_slice %arg7[%dma_wait3A, %scan3A_119, %dma_wait3A_122, %dma_wait3A_123] : memref<3x8x8x129xf32, #tpu.memory_space<vmem>> -> memref<1x1x8x128xf32, #tpu.memory_space<vmem>>
      %dma_wait3A_125 = tpu.memref_squeeze %dma_wait3A_124 : memref<1x1x8x128xf32, #tpu.memory_space<vmem>> -> memref<8x128xf32, #tpu.memory_space<vmem>>
      %dma_wait3A_126 = arith.constant 0 : i32
      %dma_wait3A_127 = arith.constant 0 : i32
      %dma_wait3A_128 = tpu.memref_slice %arg4[%dma_wait3A_120, %scan3A_119, %add3A, %dma_wait3A_126, %dma_wait3A_127] : memref<200x8x32x8x128xf32, #tpu.memory_space<hbm>> -> memref<1x1x1x8x128xf32, #tpu.memory_space<hbm>>
      %dma_wait3A_129 = tpu.memref_squeeze %dma_wait3A_128 : memref<1x1x1x8x128xf32, #tpu.memory_space<hbm>> -> memref<8x128xf32, #tpu.memory_space<hbm>>
      %dma_wait3A_130 = tpu.memref_slice %arg9[%dma_wait3A_121] : memref<3x!tpu.dma_semaphore, #tpu.memory_space<semaphore_mem>> -> memref<1x!tpu.dma_semaphore, #tpu.memory_space<semaphore_mem>>
      %dma_wait3A_131 = tpu.memref_squeeze %dma_wait3A_130 : memref<1x!tpu.dma_semaphore, #tpu.memory_space<semaphore_mem>> -> memref<!tpu.dma_semaphore, #tpu.memory_space<semaphore_mem>>
      %dma_wait3A_132 = arith.constant 0 : i32
      %dma_wait3A_133 = arith.constant 0 : i32
      %dma_wait3A_134 = tpu.memref_slice %arg4[%dma_wait3A_120, %scan3A_119, %add3A, %dma_wait3A_132, %dma_wait3A_133] : memref<200x8x32x8x128xf32, #tpu.memory_space<hbm>> -> memref<1x1x1x8x128xf32, #tpu.memory_space<hbm>>
      %dma_wait3A_135 = tpu.memref_squeeze %dma_wait3A_134 : memref<1x1x1x8x128xf32, #tpu.memory_space<hbm>> -> memref<8x128xf32, #tpu.memory_space<hbm>>
      %dma_wait3A_136 = arith.constant 0 : i32
      %dma_wait3A_137 = arith.constant 0 : i32
      %dma_wait3A_138 = tpu.memref_slice %arg7[%dma_wait3A, %scan3A_119, %dma_wait3A_136, %dma_wait3A_137] : memref<3x8x8x129xf32, #tpu.memory_space<vmem>> -> memref<1x1x8x128xf32, #tpu.memory_space<vmem>>
      %dma_wait3A_139 = tpu.memref_squeeze %dma_wait3A_138 : memref<1x1x8x128xf32, #tpu.memory_space<vmem>> -> memref<8x128xf32, #tpu.memory_space<vmem>>
      tpu.wait_dma2 semaphore(%dma_wait3A_131 : memref<!tpu.dma_semaphore, #tpu.memory_space<semaphore_mem>>) src(%dma_wait3A_139 : memref<8x128xf32, #tpu.memory_space<vmem>>) dst(%dma_wait3A_135 : memref<8x128xf32, #tpu.memory_space<hbm>>)
    }
    %scan3A_118 = arith.constant 8 : i32
    return
  }
}

</mosaic_0001>

<sc_bundles>
// kernel: kernel.3.cloned.1.call-start
scs
__scs_entry_jumppad:
0x0: {  	(pc) =	sbr.rel $0x88, $3  }
0x1: {  	(tag) =	ssettag $0x0;
	lr =	simm.s32 $0x1  }
0x2: {  	[smem:$0x3F9F] =	sst lr;
	_ =	strace $0xD0000000  }
0x3: {  	_ = 	snop  }
0x4: {  	_ = 	snop  }
0x5: {  	_ = 	snop  }
0x6: {  	_ = 	snop  }
0x7: {  	_ = 	snop  }
__scs_overlays_trampoline_lowered:
0x8: {  	[smem:$0x3FAE] =	sst s0  }
0x9: {  	[smem:$0x3FAF] =	sst s1  }
0xa: {  	[smem:$0x3FB0] =	sst s2  }
0xb: {  	[smem:$0x3FB1] =	sst s3  }
0xc: {  	[smem:$0x3FB2] =	sst s4  }
0xd: {  	[smem:$0x3FB3] =	sst s5  }
0xe: {  	[smem:$0x3FB4] =	sst s6  }
0xf: {  	[smem:$0x3FB5] =	sst s7  }
0x10: {  	[smem:$0x3FB6] =	sst s8  }
0x11: {  	[smem:$0x3FB7] =	sst s9;
	s0 =	simm.s32 @!p0 $0x0  }
0x12: {  	s1 =	sld [smem:$0x3F9D];
	s0 =	simm.s32 @p0 $0x1  }
0x13: {  	[smem:$0x3FB8] =	sst s0;
	s0 =	simm.s32 @!p1 $0x0  }
0x14: {  	s2 =	sld [smem:$0x3F9C];
	s0 =	simm.s32 @p1 $0x1  }
0x15: {  	[smem:$0x3FB9] =	sst s0;
	s0 =	simm.s32 @!p2 $0x0  }
0x16: {  	s3 =	sld [smem:$0x3FDB];
	s0 =	simm.s32 @p2 $0x1  }
0x17: {  	s4 =	simm.s32 $0x1BF5;
	[smem:$0x3FBB] =	sst s0  }
0x18: {  	s0 =	sld [smem:$0x3F9E];
	_ =	swait.ge [sflag:s4], $0x0  }
0x19: {  	s7 =	sld [smem:$0x3F9F]  }
0x1a: {  	s8 =	sadd.s32 $0xFFFFE003, lr  }
0x1b: {  	s9 =	sadd.s32 $0xFFFFFEF7, lr;
	s5 =	simm.s32 $0xFFFFFFFF;
	p2 =	slt.u32 s8, $0xFFFFF086  }
0x1c: {  	p1 =	slt.u32 s9, $0xF7A;
	s5 =	simm.s32 @!p2 $0x0  }
0x1d: {  	s5 =	simm.s32 @p1 $0x1;
	p0 =	seq.s32 s7, s2  }
0x1e: {  	s7 =	smul.u32 @!p0 $0xF7A, s2;
	p2 =	seq.s32 @!p0 s5, $0x0  }
0x1f: {  	s9 =	smul.u32 $0xF7A, s1;
	s8 =	simm.s32 @!p0 $0x1BF5;
	p2 =	por !p2, p0  }
0x20: {  	[sflag:s8] =	ssyncset.s32 @!p0 $0xFFFFF086;
	s6 =	sadd.s32 @!p0 s3, s7;
	s7 =	simm.s32 @!p0 $0x108  }
0x21: {  	s3 =	sadd.s32 s3, s9;
	s6 =	sadd.s32 @!p0 $0x88, s6;
	s7 =	simm.s32 @p2 $0x1082  }
0x22: {  	[simem:s7], [sflag:s8] =	dma.local @!p0 [hbm:s6], $0xF7A  }
0x23: {  	s9 =	sor.u32 $0xD0000000, s2;
	s6 =	simm.s32 $0x108;
	_ =	swait.ge @!p0 [sflag:s8], $0x0  }
0x24: {  	s3 =	sadd.s32 $0x88, s3;
	s6 =	simm.s32 @!p1 $0x1082;
	[sflag:s4] =	ssyncset.s32 $0xFFFFF086  }
0x25: {  	[simem:s6], [sflag:s4] =	dma.local [hbm:s3], $0xF7A  }
0x26: {  	[smem:$0x3F9F] =	sst s1;
	(tag) =	ssettag s2;
	_ =	strace s9  }
0x27: {  	s1 =	sld [smem:$0x3FAF]  }
0x28: {  	s2 =	sld [smem:$0x3FB0]  }
0x29: {  	s4 =	sld [smem:$0x3FB2]  }
0x2a: {  	p0 =	seq.s32 s5, $0x0;
	s5 =	sld [smem:$0x3FB3]  }
0x2b: {  	s6 =	sld [smem:$0x3FB4]  }
0x2c: {  	s7 =	sld [smem:$0x3FB5]  }
0x2d: {  	s3 =	simm.s32 $0x108;
	s8 =	sld [smem:$0x3FB6]  }
0x2e: {  	s3 =	simm.s32 @!p0 $0x1082;
	s9 =	sld [smem:$0x3FB7]  }
0x2f: {  	lr =	sadd.s32 s0, s3;
	s0 =	sld [smem:$0x3FAE]  }
0x30: {  	s3 =	sld [smem:$0x3FB1]  }
0x31: {  	[smem:$0x3FBA] =	sst s10  }
0x32: {  	s10 =	sld [smem:$0x3FB8];
	_ =	sdelay $0x3  }
0x33: {  	p0 =	seq.s32 s10, $0x1;
	s10 =	sld [smem:$0x3FBA];
	_ =	sdelay $0x3  }
0x34: {  	[smem:$0x3FBA] =	sst s10  }
0x35: {  	s10 =	sld [smem:$0x3FB9];
	_ =	sdelay $0x3  }
0x36: {  	p1 =	seq.s32 s10, $0x1;
	s10 =	sld [smem:$0x3FBA];
	_ =	sdelay $0x3  }
0x37: {  	[smem:$0x3FBA] =	sst s10  }
0x38: {  	s10 =	sld [smem:$0x3FBB]  }
0x39: {  	_ = 	snop;
	(pc) =	sbr.ind lr, $3  }
0x3a: {  	_ = 	snop  }
0x3b: {  	_ = 	snop  }
0x3c: {  	p2 =	seq.s32 s10, $0x1;
	s10 =	sld [smem:$0x3FBA]  }
0x3d: {  	_ =	shalt  }
0x3e: {  	_ =	shalt  }
0x3f: {  	_ =	shalt  }
0x40: {  	_ =	shalt  }
0x41: {  	_ =	shalt  }
0x42: {  	_ =	shalt  }
0x43: {  	_ =	shalt  }
0x44: {  	_ =	shalt  }
0x45: {  	_ =	shalt  }
0x46: {  	_ =	shalt  }
0x47: {  	_ =	shalt  }
0x48: {  	_ =	shalt  }
0x49: {  	_ =	shalt  }
0x4a: {  	_ =	shalt  }
0x4b: {  	_ =	shalt  }
0x4c: {  	_ =	shalt  }
0x4d: {  	_ =	shalt  }
0x4e: {  	_ =	shalt  }
0x4f: {  	_ =	shalt  }
0x50: {  	_ =	shalt  }
0x51: {  	_ =	shalt  }
0x52: {  	_ =	shalt  }
0x53: {  	_ =	shalt  }
0x54: {  	_ =	shalt  }
0x55: {  	_ =	shalt  }
0x56: {  	_ =	shalt  }
0x57: {  	_ =	shalt  }
0x58: {  	_ =	shalt  }
0x59: {  	_ =	shalt  }
0x5a: {  	_ =	shalt  }
0x5b: {  	_ =	shalt  }
0x5c: {  	_ =	shalt  }
0x5d: {  	_ =	shalt  }
0x5e: {  	_ =	shalt  }
0x5f: {  	_ =	shalt  }
0x60: {  	_ =	shalt  }
0x61: {  	_ =	shalt  }
0x62: {  	_ =	shalt  }
0x63: {  	_ =	shalt  }
0x64: {  	_ =	shalt  }
0x65: {  	_ =	shalt  }
0x66: {  	_ =	shalt  }
0x67: {  	_ =	shalt  }
0x68: {  	_ =	shalt  }
0x69: {  	_ =	shalt  }
0x6a: {  	_ =	shalt  }
0x6b: {  	_ =	shalt  }
0x6c: {  	_ =	shalt  }
0x6d: {  	_ =	shalt  }
0x6e: {  	_ =	shalt  }
0x6f: {  	_ =	shalt  }
0x70: {  	_ =	shalt  }
0x71: {  	_ =	shalt  }
0x72: {  	_ =	shalt  }
0x73: {  	_ =	shalt  }
0x74: {  	_ =	shalt  }
0x75: {  	_ =	shalt  }
0x76: {  	_ =	shalt  }
0x77: {  	_ =	shalt  }
0x78: {  	_ =	shalt  }
0x79: {  	_ =	shalt  }
0x7a: {  	_ =	shalt  }
0x7b: {  	_ =	shalt  }
0x7c: {  	_ =	shalt  }
0x7d: {  	_ =	shalt  }
0x7e: {  	_ =	shalt  }
0x7f: {  	_ =	shalt  }
0x80: {  	_ =	shalt  }
0x81: {  	_ =	shalt  }
0x82: {  	_ =	shalt  }
0x83: {  	_ =	shalt  }
0x84: {  	_ =	shalt  }
0x85: {  	_ =	shalt  }
0x86: {  	_ =	shalt  }
0x87: {  	_ =	shalt  }
.Lfunc_end0:
.L_simem_size_0:
called_computation.1_lowered:
.L_overlay_start_0:
0x88: {  	s2 =	sld [smem:$0x3FD9]  }
0x89: {  	s3 =	sld [smem:$0x3FFE];
	_ =	sdelay $0x1  }
0x8a: {  	s1 =	srdreg.scid  }
0x8b: {  	s0 =	sand.u32 $0x1, s1  }
0x8c: {  	s17 =	sshll.u32 s0, $0xA;
	s2 =	sadd.s32 s3, s2  }
0x8d: {  	s2 =	sadd.s32 s2, s17  }
0x8e: {  	[smem:$0x3FC6] =	sst s2  }
0x8f: {  	_ = 	snop  }
0x90: {  	s2 =	sld [smem:$0x3FD0];
	(tm) =	ssettm $0x1  }
0x91: {  	s18 =	sld [smem:$0x3FFB];
	_ =	sdelay $0x3  }
0x92: {  	_ =	strace s18  }
0x93: {  	s3 =	sld [smem:$0x3FFC];
	_ =	sdelay $0x3  }
0x94: {  	_ =	strace s3  }
0x95: {  	s3 =	sld [smem:$0x3FFD];
	_ =	sdelay $0x3  }
0x96: {  	_ =	strace s3  }
0x97: {  	_ =	strace $0x8FFFFFFF  }
0x98: {  	s19 =	sld [smem:$0x3FDB];
	_ =	sdelay $0x1  }
0x99: {  	s4 =	simm.s32 $_scs_section_size  }
0x9a: {  	s5 =	simm.s32 $_size__tile_overlayer_lowered;
	s6 =	simm.s32 $_tile_overlayer_lowered  }
0x9b: {  	s22 =	simm.s32 $0x1BFF;
	s21 =	sshll.u32 s6, $0x1;
	s3 =	sadd.s32 s4, s19  }
0x9c: {  	s7 =	simm.s32 $0x0;
	s20 =	sshll.u32 s5, $0x1;
	s5 =	sadd.s32 s21, s3  }
0x9d: {  	[timem:s7], [sflag:s22] =	dma.local [hbm:s5], s20  }
0x9e: {  	_ =	swait.ge [sflag:s22], s20  }
0x9f: {  	s4 =	ssub.s32 $0x0, s20;
	[sflag:s22] =	ssyncset.done $0x0  }
0xa0: {  	[sflag:s22] =	ssyncadd.s32 s4;
	_ =	sdelay $0x1  }
0xa1: {  	s23 =	simm.s32 $0x1B8B  }
0xa2: {  	_ =	swait.ge [sflag:s23], $0x1  }
0xa3: {  	[sflag:s23] =	ssyncset.done $0x0  }
0xa4: {  	s25 =	simm.s32 $0x1B8E;
	s24 =	sld [smem:$0x3FFE];
	[sflag:s23] =	ssyncadd.s32 $0xFFFFFFFF  }
0xa5: {  	s26 =	simm.s32 $execute0_lowered;
	[smem:$0x3FD2] =	sst s25  }
0xa6: {  	s5 =	sshll.u32 s26, $0x1;
	_ =	strace $0x80000049;
	[dreg:$0x1] =	wrdreg $0xFFFFFFFF  }
0xa7: {  	s28 =	simm.s32 $_size_execute0_lowered;
	s3 =	sadd.s32 s3, s5;
	[dreg:$0x0] =	wrdreg $0x0  }
0xa8: {  	s5 =	sshll.u32 s28, $0x1;
	[dreg:$0x2] =	wrdreg s3  }
0xa9: {  	[dreg:$0x3] =	wrdreg s5  }
0xaa: {  	[dreg:$0x4] =	wrdreg $0xC0  }
0xab: {  	_ =	task [dreg:s7], $0x5FFFF  }
0xac: {  	[dreg:$0x1] =	wrdreg $0xFFFFFFFF  }
0xad: {  	[dreg:$0x0] =	wrdreg $0x60  }
0xae: {  	[dreg:$0x2] =	wrdreg s24  }
0xaf: {  	[dreg:$0x3] =	wrdreg s2  }
0xb0: {  	[dreg:$0x4] =	wrdreg $0x9  }
0xb1: {  	_ =	task.clear_ibuf [dreg:s7], $0x5FFFF;
	_ =	strace $0x90000049  }
0xb2: {  	s29 =	simm.s32 $0x9;
	_ =	strace $0x8000004B  }
0xb3: {  	_ =	swait.ge [sflag:s29], $0x1  }
0xb4: {  	[sflag:s29] =	ssyncadd.s32 $0xFFFFFFFF  }
0xb5: {  	_ =	strace $0x9000004B  }
0xb6: {  	_ =	sfence  }
0xb7: {  	s30 =	sld [smem:$0x0];
	_ =	sdelay $0x2  }
0xb8: {  	s31 =	sshll.u32 s1, $0xD;
	s1 =	sshrl.u32 s1, $0x2  }
0xb9: {  	s3 =	sand.u32 $0x4000, s31;
	s1 =	sadd.s32 s1, s30  }
0xba: {  	s0 =	sor.u32 s3, s0;
	s1 =	sshll.u32 s1, $0x11  }
0xbb: {  	s0 =	sor.u32 s1, s0  }
0xbc: {  	s0 =	sadd.s32 $0x8F2B, s0  }
0xbd: {  	[sflag:s0] =	ssyncadd.remote.s32 $0x1  }
0xbe: {  	_ =	sfence.sel $0xFFFF  }
0xbf: {  	[dreg:$0x0] =	wrdreg $0xFFFFFFFF;
	(pc) =	sbr.abs _section_cstart, $3  }
0xc0: {  	[dreg:$0x1] =	wrdreg $0xFFFFFFFF  }
0xc1: {  	_ =	task.clear_ibuf [dreg:s7], $0x2FFFF;
	_ =	strace $0x9FFFFFFF  }
0xc2: {  	(tm) =	ssettm $0x7FFFFFFF  }
0xc3: {  	_ =	shalt  }
tec
execute0_lowered:
.L_overlay_start_1:
0x0: {  	(tag) =	ssettag $0x1  }
0x1: {  	s0 =	rddreg [dreg:$0x0]  }
0x2: {  	s1 =	rddreg [dreg:$0x1]  }
0x3: {  	s2 =	srdreg.scid;
	s4 =	stileid.u32;
	s9 =	simm.s32 $0xA  }
0x4: {  	s10 =	simm.s32 $0x80;
	s15 =	simm.s32 $0x180;
	s16 =	simm.s32 $0xC400  }
0x5: {  	s17 =	simm.s32 $0x200;
	s18 =	simm.s32 $0xE400;
	s19 =	simm.s32 $0x280  }
0x6: {  	s20 =	simm.s32 $0x10400;
	s21 =	simm.s32 $0x9;
	s22 =	simm.s32 $0x7  }
0x7: {  	s23 =	simm.s32 $0x8;
	s24 =	simm.s32 $0x0;
	s3 =	sand.u32 $0x1, s2  }
0x8: {  	s2 =	simm.s32 $0x0;
	s4 =	sshll.u32 s4, $0xB;
	s5 =	sshll.u32 s3, $0xA  }
0x9: {  	v0 =	vlaneseq.u32;
	[smem:$0x7FF] =	sst s2;
	s29 =	ssub.s32 $0x2, s3;
	s4 =	sor.u32 s5, s4  }
0xa: {  	v0 =	vmul.u32 $0x88, v0;
	s3 =	sadd.s32 $0xF5C000, s0;
	s30 =	sshrl.u32 s29, $0x1;
	s6 =	sshrl.u32 s4, $0x3  }
0xb: {  	_ =	strace $0x8000004A;
	s31 =	ssub.s32 s29, s30;
	s7 =	sadd.s32 s6, s0  }
0xc: {  	v1 =	vadd.s32 $0x880, v0;
	v2 =	vadd.s32 $0x1100, v0;
	v3 =	vadd.s32 $0x1980, v0;
	s5 =	smax.u32 s31, $0x1;
	s6 =	sadd.s32 s6, s1;
	s4 =	sadd.s32 $0xF43000, s7  }
.LBB2_1:
0xd: {  	s0 =	simm.s32 $0x400;
	s1 =	simm.s32 $0x8000  }
0xe: {  	[tilespmem:s2], [sflag:$0xA] =	stream.strided.gather [hbm4b:s4+s0], $0x6400, s1, s0, $0x38;
	[tilespmem:$0x18A00] =	vst v63  }
0xf: {  	_ =	swait.ge [sflag:s9], $0x6400  }
0x10: {  	[sflag:s9] =	ssyncset.done $0x0  }
0x11: {  	s25 =	simm.s32 $0x6400;
	[sflag:s9] =	ssyncadd.s32 $0xFFFF9C00  }
0x12: {  	[tilespmem:s25], [sflag:$0x1] =	stream.indirect.gather [hbm4b:s3+s10], $0x40, s2, s10, $0xb8;
	[tilespmem:$0x18A00] =	vst v63  }
0x13: {  	s26 =	simm.s32 $0x8400  }
0x14: {  	[tilespmem:s26], [sflag:$0x2] =	stream.indirect.gather [hbm4b:s3+s10], $0x40, s10, s10, $0xb8;
	[tilespmem:$0x18A00] =	vst v63  }
0x15: {  	s30 =	simm.s32 $0x100;
	s31 =	simm.s32 $0xA400  }
0x16: {  	[tilespmem:s31], [sflag:$0x3] =	stream.indirect.gather [hbm4b:s3+s10], $0x40, s30, s10, $0xb8;
	[tilespmem:$0x18A00] =	vst v63  }
0x17: {  	_ = 	snop  }
0x18: {  	[tilespmem:s16], [sflag:$0x4] =	stream.indirect.gather [hbm4b:s3+s10], $0x40, s15, s10, $0xb8;
	[tilespmem:$0x18A00] =	vst v63  }
0x19: {  	s28 =	smov.u32 s6  }
0x1a: {  	[tilespmem:s18], [sflag:$0x5] =	stream.indirect.gather [hbm4b:s3+s10], $0x40, s17, s10, $0xb8;
	[tilespmem:$0x18A00] =	vst v63  }
0x1b: {  	s29 =	simm.s32 $0x0;
	s25 =	simm.s32 $0x64F0;
	s26 =	simm.s32 $0x12400  }
0x1c: {  	[tilespmem:s20], [sflag:$0x6] =	stream.indirect.gather [hbm4b:s3+s10], $0x40, s19, s10, $0xb8;
	[tilespmem:$0x18A00] =	vst v63  }
.LBB2_2:
0x1d: {  	s1 =	smul.u32 $0xAB, s29;
	_ =	sdelay $0x1  }
0x1e: {  	s0 =	sshrl.u32 s1, $0x9  }
0x1f: {  	s0 =	sand.u32 $0x7F, s0  }
0x20: {  	s0 =	smul.u32 $0x3, s0;
	_ =	sdelay $0x1  }
0x21: {  	s0 =	ssub.s32 s29, s0  }
0x22: {  	p0 =	slt.u32 s29, $0x3;
	s30 =	sand.u32 $0xFF, s0  }
0x23: {  	s7 =	sadd.s32 @!p0 $0x7, s30  }
0x24: {  	_ =	swait.ge @!p0 [sflag:s7], $0x400  }
0x25: {  	[sflag:s7] =	ssyncset.done @!p0 $0x0  }
0x26: {  	[sflag:s7] =	ssyncadd.s32 @!p0 $0xFFFFFC00  }
0x27: {  	_ =	swait.ge @!p0 [sflag:s7], $0x400  }
0x28: {  	[sflag:s7] =	ssyncset.done @!p0 $0x0  }
0x29: {  	[sflag:s7] =	ssyncadd.s32 @!p0 $0xFFFFFC00  }
0x2a: {  	_ =	swait.ge @!p0 [sflag:s7], $0x400  }
0x2b: {  	[sflag:s7] =	ssyncset.done @!p0 $0x0  }
0x2c: {  	[sflag:s7] =	ssyncadd.s32 @!p0 $0xFFFFFC00  }
0x2d: {  	_ =	swait.ge @!p0 [sflag:s7], $0x400  }
0x2e: {  	[sflag:s7] =	ssyncset.done @!p0 $0x0  }
0x2f: {  	[sflag:s7] =	ssyncadd.s32 @!p0 $0xFFFFFC00  }
0x30: {  	_ =	swait.ge @!p0 [sflag:s7], $0x400  }
0x31: {  	[sflag:s7] =	ssyncset.done @!p0 $0x0  }
0x32: {  	[sflag:s7] =	ssyncadd.s32 @!p0 $0xFFFFFC00  }
0x33: {  	_ =	swait.ge @!p0 [sflag:s7], $0x400  }
0x34: {  	s1 =	sshrl.u32 s1, $0xA;
	s0 =	smulhi.u32 $0xAAAAAAAB, s29;
	[sflag:s7] =	ssyncset.done @!p0 $0x0  }
0x35: {  	s1 =	sand.u32 $0x3F, s1;
	[sflag:s7] =	ssyncadd.s32 @!p0 $0xFFFFFC00  }
0x36: {  	s1 =	smul.u32 $0x6, s1;
	s8 =	sshrl.u32 s0, $0x2;
	_ =	swait.ge @!p0 [sflag:s7], $0x400  }
0x37: {  	s8 =	smul.u32 $0xFFFD0000, s8;
	[sflag:s7] =	ssyncset.done @!p0 $0x0  }
0x38: {  	[sflag:s7] =	ssyncadd.s32 @!p0 $0xFFFFFC00  }
0x39: {  	s1 =	ssub.s32 s29, s1;
	s11 =	sshra.s32 s8, $0x2;
	_ =	swait.ge @!p0 [sflag:s7], $0x400  }
0x3a: {  	s8 =	sand.u32 $0xFF, s1;
	v4 =	vmov s11;
	[sflag:s7] =	ssyncset.done @!p0 $0x0  }
0x3b: {  	s31 =	sadd.s32 $0x1, s8;
	[sflag:s7] =	ssyncadd.s32 @!p0 $0xFFFFFC00  }
0x3c: {  	s12 =	simm.s32 $0x3;
	_ =	swait.ge [sflag:s31], $0x2000  }
0x3d: {  	s13 =	simm.s32 $0x0;
	v5 =	vmov s12;
	[sflag:s31] =	ssyncset.done $0x0  }
0x3e: {  	v6 =	vmov s13;
	v9 =	vand.u32 $0x7F, v5;
	[sflag:s31] =	ssyncadd.s32 $0xFFFFE000  }
0x3f: {  	v12 =	vand.u32 $0x7C, v6;
	v6 =	vadd.s32 v0, v9;
	v5 =	vld.idx.msk [tilespmem:v4+s25+$0xFFFFFFD0 ss:$0x1], $0xffff  }
0x40: {  	v8 =	vadd.s32 v0, v12;
	s14 =	smul.u32 $0x8800, s30;
	s11 =	simm.s32 $0x1;
	v7 =	vld.idx.msk [tilespmem:v4+s25+$0xFFFFFF10 ss:$0x1], $0xffff  }
0x41: {  	s12 =	simm.s32 $0x2;
	v10 =	vmov s11  }
0x42: {  	s1 =	sshrl.u32 s14, $0x2;
	v11 =	vand.u32 $0x7D, v10;
	v10 =	vmov s12  }
0x43: {  	s1 =	sadd.s32 $0x12400, s1;
	v14 =	vadd.s32 v0, v11;
	v16 =	vand.u32 $0x7E, v10;
	v13 =	vld.idx.msk [tilespmem:v4+s25+$0xFFFFFF50 ss:$0x1], $0xffff  }
0x44: {  	v15 =	vadd.s32 v0, v16;
	v10 =	vld.idx.msk [tilespmem:v4+s25+$0xFFFFFF90 ss:$0x1], $0xffff;
	[tilespmem:v6+s1+$0x0] =	vst.idx.msk $0xffff, v5  }
0x45: {  	[tilespmem:v8+s1+$0x0] =	vst.idx.msk $0xffff, v7;
	v6 =	vadd.s32 v1, v9;
	v5 =	vld.idx.msk [tilespmem:v4+s25+$0xFFFFFFE0 ss:$0x1], $0xffff  }
0x46: {  	v8 =	vadd.s32 v1, v12;
	v7 =	vld.idx.msk [tilespmem:v4+s25+$0xFFFFFF20 ss:$0x1], $0xffff  }
0x47: {  	s12 =	sadd.s32 $0x100, s25  }
0x48: {  	v19 =	vld.idx.msk [tilespmem:v4+s12+$0xFFFFFFD0 ss:$0x1], $0xffff;
	[tilespmem:v14+s1+$0x0] =	vst.idx.msk $0xffff, v13  }
0x49: {  	[tilespmem:v15+s1+$0x0] =	vst.idx.msk $0xffff, v10;
	v10 =	vadd.s32 v1, v11;
	v13 =	vld.idx.msk [tilespmem:v4+s25+$0xFFFFFF60 ss:$0x1], $0xffff  }
0x4a: {  	s13 =	simm.s32 $0x7;
	v14 =	vld.idx.msk [tilespmem:v4+s25+$0xFFFFFFA0 ss:$0x1], $0xffff;
	[tilespmem:v6+s1+$0x0] =	vst.idx.msk $0xffff, v5;
	v6 =	vadd.s32 v1, v16  }
0x4b: {  	v18 =	vadd.s32 v2, v9;
	s14 =	simm.s32 $0x4;
	[tilespmem:v8+s1+$0x0] =	vst.idx.msk $0xffff, v7;
	v5 =	vmov s13;
	v15 =	vld.idx.msk [tilespmem:v4+s25+$0xFFFFFFF0 ss:$0x1], $0xffff  }
0x4c: {  	v20 =	vadd.s32 v2, v12;
	s11 =	simm.s32 $0x5;
	v7 =	vmov s14;
	v17 =	vld.idx.msk [tilespmem:v4+s25+$0xFFFFFF30 ss:$0x1], $0xffff;
	v8 =	vand.u32 $0x7F, v5  }
0x4d: {  	v21 =	vld.idx.msk [tilespmem:v4+s12+$0xFFFFFF10 ss:$0x1], $0xffff;
	s13 =	simm.s32 $0x6;
	v5 =	vand.u32 $0x7C, v7;
	v7 =	vmov s11;
	v22 =	vadd.s32 v0, v8  }
0x4e: {  	v24 =	vld.idx.msk [tilespmem:v4+s12+$0xFFFFFF90 ss:$0x1], $0xffff;
	[tilespmem:v10+s1+$0x0] =	vst.idx.msk $0xffff, v13;
	v23 =	vmov s13;
	v10 =	vadd.s32 v0, v5;
	v7 =	vand.u32 $0x7D, v7  }
0x4f: {  	v13 =	vld.idx.msk [tilespmem:v4+s12+$0xFFFFFF50 ss:$0x1], $0xffff;
	[tilespmem:v6+s1+$0x0] =	vst.idx.msk $0xffff, v14;
	v14 =	vadd.s32 v0, v7;
	v6 =	vand.u32 $0x7E, v23  }
0x50: {  	v25 =	vld.idx.msk [tilespmem:v4+s25+$0xFFFFFF70 ss:$0x1], $0xffff;
	v23 =	vadd.s32 v0, v6;
	[tilespmem:v18+s1+$0x0] =	vst.idx.msk $0xffff, v15  }
0x51: {  	[tilespmem:v20+s1+$0x0] =	vst.idx.msk $0xffff, v17;
	v15 =	vadd.s32 v2, v11;
	v20 =	vld.idx.msk [tilespmem:v4+s25+$0xFFFFFFB0 ss:$0x1], $0xffff  }
0x52: {  	v9 =	vadd.s32 v3, v9;
	v18 =	vld.idx.msk [tilespmem:v4+s25+$0x0 ss:$0x1], $0xffff;
	[tilespmem:v22+s1+$0x0] =	vst.idx.msk $0xffff, v19  }
0x53: {  	v63 =	vadd.s32 v2, v16;
	[tilespmem:v10+s1+$0x0] =	vst.idx.msk $0xffff, v21;
	v62 =	vld.idx.msk [tilespmem:v4+s12+$0xFFFFFFE0 ss:$0x1], $0xffff  }
0x54: {  	v26 =	vld.idx.msk [tilespmem:v4+s12+$0xFFFFFF20 ss:$0x1], $0xffff;
	[tilespmem:v14+s1+$0x0] =	vst.idx.msk $0xffff, v13;
	v14 =	vadd.s32 v1, v8  }
0x55: {  	s0 =	sshrl.u32 s0, $0x1;
	v27 =	vadd.s32 v1, v5;
	v17 =	vld.idx.msk [tilespmem:v4+s12+$0xFFFFFF60 ss:$0x1], $0xffff;
	[tilespmem:v23+s1+$0x0] =	vst.idx.msk $0xffff, v24  }
0x56: {  	s0 =	smul.u32 $0xFFFE6800, s0;
	v19 =	vadd.s32 v1, v7;
	[tilespmem:v15+s1+$0x0] =	vst.idx.msk $0xffff, v25;
	v13 =	vld.idx.msk [tilespmem:v4+s12+$0xFFFFFFA0 ss:$0x1], $0xffff  }
0x57: {  	v10 =	vld.idx.msk [tilespmem:v4+s25+$0xFFFFFF80 ss:$0x1], $0xffff;
	[tilespmem:v9+s1+$0x0] =	vst.idx.msk $0xffff, v18;
	v18 =	vadd.s32 v1, v6  }
0x58: {  	s0 =	sshra.s32 s0, $0x2;
	s14 =	sshll.u32 s8, $0xD;
	[tilespmem:v63+s1+$0x0] =	vst.idx.msk $0xffff, v20;
	v15 =	vadd.s32 v3, v11;
	v9 =	vld.idx.msk [tilespmem:v4+s25+$0xFFFFFF40 ss:$0x1], $0xffff  }
0x59: {  	s0 =	sadd.s32 s0, s26;
	s7 =	smov.u32 s12;
	s8 =	sadd.s32 $0x6400, s14;
	v11 =	vld.idx.msk [tilespmem:v4+s25+$0xFFFFFFC0 ss:$0x1], $0xffff;
	[tilespmem:v14+s1+$0x0] =	vst.idx.msk $0xffff, v62;
	v14 =	vadd.s32 v3, v12  }
0x5a: {  	v16 =	vadd.s32 v3, v16;
	s11 =	simm.s32 $0x8;
	s14 =	simm.s32 $0xB;
	s13 =	simm.s32 $0xC;
	[tilespmem:v27+s1+$0x0] =	vst.idx.msk $0xffff, v26;
	v12 =	vld.idx.msk [tilespmem:v4+s12+$0xFFFFFFF0 ss:$0x1], $0xffff  }
.LBB2_3:
0x5b: {  	p0 =	slt.u32 s13, $0x7C;
	v20 =	vmov s14;
	v21 =	vld.idx.msk [tilespmem:v4+s12+$0xFFFFFF30 ss:$0x1], $0xffff;
	[tilespmem:v19+s1+$0x0] =	vst.idx.msk $0xffff, v17;
	v17 =	vadd.s32 v2, v8;
	s7 =	sadd.s32 $0x100, s7  }
0x5c: {  	v19 =	vmov s11;
	s14 =	sadd.s32 $0x1, s11;
	v23 =	vadd.s32 v2, v5;
	v22 =	vld.idx.msk [tilespmem:v4+s7+$0xFFFFFFD0 ss:$0x1], $0xffff;
	v20 =	vand.u32 $0x7F, v20;
	[tilespmem:v18+s1+$0x0] =	vst.idx.msk $0xffff, v13  }
0x5d: {  	v24 =	vand.u32 $0x7C, v19;
	v18 =	vmov s14;
	s14 =	sadd.s32 $0x2, s11;
	s11 =	smov.u32 s13;
	v13 =	vld.idx.msk [tilespmem:v4+s7+$0xFFFFFF10 ss:$0x1], $0xffff;
	v19 =	vadd.s32 v0, v20;
	[tilespmem:v15+s1+$0x0] =	vst.idx.msk $0xffff, v10  }
0x5e: {  	v10 =	vadd.s32 v0, v24;
	v25 =	vand.u32 $0x7D, v18;
	v18 =	vmov s14;
	v15 =	vld.idx.msk [tilespmem:v4+s7+$0xFFFFFF50 ss:$0x1], $0xffff;
	[tilespmem:v14+s1+$0x0] =	vst.idx.msk $0xffff, v9  }
0x5f: {  	v9 =	vadd.s32 v0, v25;
	v26 =	vand.u32 $0x7E, v18;
	v14 =	vld.idx.msk [tilespmem:v4+s7+$0xFFFFFF90 ss:$0x1], $0xffff;
	[tilespmem:v16+s1+$0x0] =	vst.idx.msk $0xffff, v11  }
0x60: {  	v11 =	vadd.s32 v0, v26;
	v16 =	vld.idx.msk [tilespmem:v4+s12+$0xFFFFFF70 ss:$0x1], $0xffff;
	[tilespmem:v17+s1+$0x0] =	vst.idx.msk $0xffff, v12  }
0x61: {  	v12 =	vadd.s32 v2, v7;
	[tilespmem:v23+s1+$0x0] =	vst.idx.msk $0xffff, v21;
	v21 =	vld.idx.msk [tilespmem:v4+s12+$0x0 ss:$0x1], $0xffff  }
0x62: {  	v23 =	vadd.s32 v3, v8;
	v8 =	vmov v20;
	[tilespmem:v19+s1+$0x0] =	vst.idx.msk $0xffff, v22;
	v22 =	vld.idx.msk [tilespmem:v4+s12+$0xFFFFFFB0 ss:$0x1], $0xffff  }
0x63: {  	v27 =	vadd.s32 v2, v6;
	[tilespmem:v10+s1+$0x0] =	vst.idx.msk $0xffff, v13;
	v20 =	vld.idx.msk [tilespmem:v4+s7+$0xFFFFFFE0 ss:$0x1], $0xffff  }
0x64: {  	v29 =	vadd.s32 v1, v8;
	v28 =	vld.idx.msk [tilespmem:v4+s7+$0xFFFFFF20 ss:$0x1], $0xffff;
	[tilespmem:v9+s1+$0x0] =	vst.idx.msk $0xffff, v15  }
0x65: {  	v30 =	vadd.s32 v1, v24;
	v17 =	vld.idx.msk [tilespmem:v4+s7+$0xFFFFFF60 ss:$0x1], $0xffff;
	[tilespmem:v11+s1+$0x0] =	vst.idx.msk $0xffff, v14  }
.Ltmp0:
0x66: {  	v19 =	vadd.s32 v1, v25;
	v13 =	vld.idx.msk [tilespmem:v4+s7+$0xFFFFFFA0 ss:$0x1], $0xffff;
	[tilespmem:v12+s1+$0x0] =	vst.idx.msk $0xffff, v16;
	(pc) =	sbr.rel @p0 .LBB2_3-.Ltmp0, $4  }
0x67: {  	v18 =	vadd.s32 v1, v26;
	v10 =	vld.idx.msk [tilespmem:v4+s12+$0xFFFFFF80 ss:$0x1], $0xffff;
	[tilespmem:v23+s1+$0x0] =	vst.idx.msk $0xffff, v21  }
0x68: {  	v15 =	vadd.s32 v3, v7;
	v7 =	vmov v25;
	v9 =	vld.idx.msk [tilespmem:v4+s12+$0xFFFFFF40 ss:$0x1], $0xffff;
	[tilespmem:v27+s1+$0x0] =	vst.idx.msk $0xffff, v22  }
0x69: {  	v14 =	vadd.s32 v3, v5;
	v5 =	vmov v24;
	[tilespmem:v29+s1+$0x0] =	vst.idx.msk $0xffff, v20;
	v11 =	vld.idx.msk [tilespmem:v4+s12+$0xFFFFFFC0 ss:$0x1], $0xffff;
	s12 =	smov.u32 s7  }
0x6a: {  	s13 =	sadd.s32 $0x4, s13;
	s14 =	sadd.s32 $0x3, s11;
	v16 =	vadd.s32 v3, v6;
	v6 =	vmov v26;
	[tilespmem:v30+s1+$0x0] =	vst.idx.msk $0xffff, v28;
	v12 =	vld.idx.msk [tilespmem:v4+s7+$0xFFFFFFF0 ss:$0x1], $0xffff  }
0x6b: {  	_ =	sdelay $0x3  }
0x6c: {  	v20 =	vmov s14;
	[tilespmem:v19+s1+$0x0] =	vst.idx.msk $0xffff, v17;
	v62 =	vadd.s32 v2, v8  }
0x6d: {  	s13 =	sadd.s32 $0x1, s11;
	v63 =	vld.idx.msk [tilespmem:v4+s12+$0xFFFFFF30 ss:$0x1], $0xffff;
	s7 =	sadd.s32 $0x100, s7;
	v21 =	vadd.s32 v2, v5;
	[tilespmem:v18+s1+$0x0] =	vst.idx.msk $0xffff, v13;
	v27 =	vmov s11;
	v20 =	vand.u32 $0x7F, v20  }
0x6e: {  	s14 =	sadd.s32 $0x2, s11;
	v26 =	vmov s13;
	v22 =	vld.idx.msk [tilespmem:v4+s7+$0xFFFFFFD0 ss:$0x1], $0xffff;
	[tilespmem:v15+s1+$0x0] =	vst.idx.msk $0xffff, v10;
	v29 =	vand.u32 $0x7C, v27;
	v23 =	vadd.s32 v0, v20  }
0x6f: {  	v31 =	vmov s14;
	v33 =	vld.idx.msk [tilespmem:v4+s7+$0xFFFFFF10 ss:$0x1], $0xffff;
	v28 =	vand.u32 $0x7D, v26;
	[tilespmem:v14+s1+$0x0] =	vst.idx.msk $0xffff, v9;
	v24 =	vadd.s32 v0, v29  }
0x70: {  	v30 =	vld.idx.msk [tilespmem:v4+s7+$0xFFFFFF50 ss:$0x1], $0xffff;
	v18 =	vand.u32 $0x7E, v31;
	v32 =	vadd.s32 v0, v28;
	[tilespmem:v16+s1+$0x0] =	vst.idx.msk $0xffff, v11  }
0x71: {  	v34 =	vld.idx.msk [tilespmem:v4+s7+$0xFFFFFF90 ss:$0x1], $0xffff;
	v35 =	vadd.s32 v0, v18;
	[tilespmem:v62+s1+$0x0] =	vst.idx.msk $0xffff, v12  }
0x72: {  	v37 =	vadd.s32 v2, v7;
	v36 =	vld.idx.msk [tilespmem:v4+s12+$0xFFFFFF70 ss:$0x1], $0xffff;
	[tilespmem:v21+s1+$0x0] =	vst.idx.msk $0xffff, v63  }
0x73: {  	v48 =	vadd.s32 v2, v6;
	v47 =	vld.idx.msk [tilespmem:v4+s12+$0xFFFFFFB0 ss:$0x1], $0xffff;
	[tilespmem:v23+s1+$0x0] =	vst.idx.msk $0xffff, v22  }
0x74: {  	v41 =	vadd.s32 v1, v20;
	[tilespmem:v24+s1+$0x0] =	vst.idx.msk $0xffff, v33;
	v40 =	vld.idx.msk [tilespmem:v4+s7+$0xFFFFFFE0 ss:$0x1], $0xffff  }
0x75: {  	v45 =	vadd.s32 v1, v29;
	[tilespmem:v32+s1+$0x0] =	vst.idx.msk $0xffff, v30;
	v44 =	vld.idx.msk [tilespmem:v4+s7+$0xFFFFFF20 ss:$0x1], $0xffff  }
0x76: {  	v43 =	vadd.s32 v1, v28;
	[tilespmem:v35+s1+$0x0] =	vst.idx.msk $0xffff, v34;
	v42 =	vld.idx.msk [tilespmem:v4+s7+$0xFFFFFF60 ss:$0x1], $0xffff  }
0x77: {  	v46 =	vadd.s32 v1, v18;
	[tilespmem:v37+s1+$0x0] =	vst.idx.msk $0xffff, v36;
	v11 =	vld.idx.msk [tilespmem:v4+s7+$0xFFFFFFA0 ss:$0x1], $0xffff  }
0x78: {  	v39 =	vadd.s32 v3, v8;
	v38 =	vld.idx.msk [tilespmem:v4+s12+$0x0 ss:$0x1], $0xffff;
	[tilespmem:v48+s1+$0x0] =	vst.idx.msk $0xffff, v47  }
0x79: {  	v5 =	vadd.s32 v3, v5;
	v56 =	vld.idx.msk [tilespmem:v4+s12+$0xFFFFFF40 ss:$0x1], $0xffff;
	[tilespmem:v41+s1+$0x0] =	vst.idx.msk $0xffff, v40  }
0x7a: {  	v51 =	vadd.s32 v2, v20;
	[tilespmem:v45+s1+$0x0] =	vst.idx.msk $0xffff, v44;
	v9 =	vld.idx.msk [tilespmem:v4+s7+$0xFFFFFFF0 ss:$0x1], $0xffff  }
0x7b: {  	v54 =	vadd.s32 v2, v29;
	[tilespmem:v43+s1+$0x0] =	vst.idx.msk $0xffff, v42;
	v53 =	vld.idx.msk [tilespmem:v4+s7+$0xFFFFFF30 ss:$0x1], $0xffff  }
0x7c: {  	v52 =	vadd.s32 v2, v28;
	[tilespmem:v46+s1+$0x0] =	vst.idx.msk $0xffff, v11;
	v15 =	vld.idx.msk [tilespmem:v4+s7+$0xFFFFFF70 ss:$0x1], $0xffff  }
0x7d: {  	v55 =	vadd.s32 v2, v18;
	[tilespmem:v39+s1+$0x0] =	vst.idx.msk $0xffff, v38;
	v11 =	vld.idx.msk [tilespmem:v4+s7+$0xFFFFFFB0 ss:$0x1], $0xffff  }
0x7e: {  	v50 =	vadd.s32 v3, v7;
	v49 =	vld.idx.msk [tilespmem:v4+s12+$0xFFFFFF80 ss:$0x1], $0xffff;
	[tilespmem:v5+s1+$0x0] =	vst.idx.msk $0xffff, v56  }
0x7f: {  	v58 =	vadd.s32 v3, v6;
	v57 =	vld.idx.msk [tilespmem:v4+s12+$0xFFFFFFC0 ss:$0x1], $0xffff;
	[tilespmem:v51+s1+$0x0] =	vst.idx.msk $0xffff, v9  }
0x80: {  	v60 =	vadd.s32 v3, v20;
	[tilespmem:v54+s1+$0x0] =	vst.idx.msk $0xffff, v53;
	v59 =	vld.idx.msk [tilespmem:v4+s7+$0x0 ss:$0x1], $0xffff  }
0x81: {  	v63 =	vadd.s32 v3, v29;
	[tilespmem:v52+s1+$0x0] =	vst.idx.msk $0xffff, v15;
	v62 =	vld.idx.msk [tilespmem:v4+s7+$0xFFFFFF40 ss:$0x1], $0xffff  }
0x82: {  	v10 =	vadd.s32 v3, v28;
	[tilespmem:v55+s1+$0x0] =	vst.idx.msk $0xffff, v11;
	v61 =	vld.idx.msk [tilespmem:v4+s7+$0xFFFFFF80 ss:$0x1], $0xffff  }
0x83: {  	v5 =	vadd.s32 v3, v18;
	[tilespmem:v50+s1+$0x0] =	vst.idx.msk $0xffff, v49;
	v4 =	vld.idx.msk [tilespmem:v4+s7+$0xFFFFFFC0 ss:$0x1], $0xffff  }
0x84: {  	[tilespmem:v58+s1+$0x0] =	vst.idx.msk $0xffff, v57  }
0x85: {  	p0 =	sgt.u32 s29, $0xC1;
	[tilespmem:v60+s1+$0x0] =	vst.idx.msk $0xffff, v59  }
0x86: {  	s7 =	sshll.u32 @!p0 s29, $0x7;
	[tilespmem:v63+s1+$0x0] =	vst.idx.msk $0xffff, v62  }
0x87: {  	s7 =	sadd.s32 @!p0 $0x300, s7;
	[tilespmem:v10+s1+$0x0] =	vst.idx.msk $0xffff, v61  }
0x88: {  	[tilespmem:v5+s1+$0x0] =	vst.idx.msk $0xffff, v4;
	s1 =	sand.u32 @!p0 $0xFF80, s7;
	s7 =	simm.s32 @!p0 $0x80  }
0x89: {  	[tilespmem:s8], [sflag:s31] =	stream.indirect.gather @!p0 [hbm4b:s3+s7], $0x40, s1, s7, $0xb8;
	[tilespmem:$0x18A00] =	vst v63  }
0x8a: {  	s1 =	sadd.s32 $0x7, s30;
	s7 =	sadd.s32 $0x0, s0  }
0x8b: {  	[hbm4b:s28+s2] =	stream.linear.scatter [tilespmem:s7], [sflag:s1], $0x80, $0x38;
	[tilespmem:$0x18A00] =	vst v63  }
0x8c: {  	s12 =	sadd.s32 $0x10, s28;
	s11 =	sadd.s32 $0x88, s7  }
0x8d: {  	[hbm4b:s12+s2] =	stream.linear.scatter [tilespmem:s11], [sflag:s1], $0x80, $0x38;
	[tilespmem:$0x18A00] =	vst v63  }
0x8e: {  	s14 =	sadd.s32 $0x20, s28;
	s31 =	sadd.s32 $0x30, s28;
	s13 =	sadd.s32 $0x110, s7  }
0x8f: {  	[hbm4b:s14+s2] =	stream.linear.scatter [tilespmem:s13], [sflag:s1], $0x80, $0x38;
	[tilespmem:$0x18A00] =	vst v63  }
0x90: {  	s8 =	simm.s32 $0x440;
	s30 =	sadd.s32 $0x198, s7;
	s11 =	sadd.s32 $0x220, s7  }
0x91: {  	[hbm4b:s31+s2] =	stream.linear.scatter [tilespmem:s30], [sflag:s1], $0x80, $0x38;
	[tilespmem:$0x18A00] =	vst v63  }
0x92: {  	s12 =	sadd.s32 $0x40, s28;
	s13 =	sadd.s32 $0x2A8, s7;
	s14 =	sadd.s32 $0x50, s28  }
0x93: {  	[hbm4b:s12+s2] =	stream.linear.scatter [tilespmem:s11], [sflag:s1], $0x80, $0x38;
	[tilespmem:$0x18A00] =	vst v63  }
0x94: {  	s30 =	sadd.s32 $0x330, s7;
	s31 =	sadd.s32 $0x60, s28;
	s11 =	simm.s32 $0x2200  }
0x95: {  	[hbm4b:s14+s2] =	stream.linear.scatter [tilespmem:s13], [sflag:s1], $0x80, $0x38;
	[tilespmem:$0x18A00] =	vst v63  }
0x96: {  	s12 =	sadd.s32 $0x3B8, s7;
	s7 =	sadd.s32 $0x1000, s28;
	s13 =	sadd.s32 $0x70, s28  }
0x97: {  	[hbm4b:s31+s2] =	stream.linear.scatter [tilespmem:s30], [sflag:s1], $0x80, $0x38;
	[tilespmem:$0x18A00] =	vst v63  }
.LBB2_5:
0x98: {  	[hbm4b:s13+s2] =	stream.linear.scatter [tilespmem:s12], [sflag:s1], $0x80, $0x38;
	[tilespmem:$0x18A00] =	vst v63  }
0x99: {  	s12 =	smov.u32 s11  }
0x9a: {  	s14 =	sadd.s32 $0x1100, s11;
	s13 =	sadd.s32 s8, s0;
	s8 =	sshra.s32 s12, $0x2  }
0x9b: {  	[hbm4b:s7+s2] =	stream.linear.scatter [tilespmem:s13], [sflag:s1], $0x80, $0x38;
	[tilespmem:$0x18A00] =	vst v63  }
0x9c: {  	p0 =	sne.s32 s11, $0x7700;
	s11 =	sadd.s32 $0x88, s13;
	s12 =	sadd.s32 $0x10, s7  }
0x9d: {  	[hbm4b:s12+s2] =	stream.linear.scatter [tilespmem:s11], [sflag:s1], $0x80, $0x38;
	[tilespmem:$0x18A00] =	vst v63  }
0x9e: {  	s11 =	sadd.s32 $0x110, s13;
	s12 =	sadd.s32 $0x20, s7  }
0x9f: {  	[hbm4b:s12+s2] =	stream.linear.scatter [tilespmem:s11], [sflag:s1], $0x80, $0x38;
	[tilespmem:$0x18A00] =	vst v63  }
0xa0: {  	s11 =	sadd.s32 $0x198, s13;
	s12 =	sadd.s32 $0x30, s7  }
0xa1: {  	[hbm4b:s12+s2] =	stream.linear.scatter [tilespmem:s11], [sflag:s1], $0x80, $0x38;
	[tilespmem:$0x18A00] =	vst v63  }
0xa2: {  	s11 =	sadd.s32 $0x220, s13;
	s12 =	sadd.s32 $0x40, s7  }
0xa3: {  	[hbm4b:s12+s2] =	stream.linear.scatter [tilespmem:s11], [sflag:s1], $0x80, $0x38;
	[tilespmem:$0x18A00] =	vst v63  }
0xa4: {  	s11 =	sadd.s32 $0x2A8, s13;
	s12 =	sadd.s32 $0x50, s7  }
0xa5: {  	[hbm4b:s12+s2] =	stream.linear.scatter [tilespmem:s11], [sflag:s1], $0x80, $0x38;
	[tilespmem:$0x18A00] =	vst v63  }
.Ltmp1:
0xa6: {  	_ = 	snop;
	(pc) =	sbr.rel @p0 .LBB2_5-.Ltmp1, $4  }
0xa7: {  	s11 =	sadd.s32 $0x330, s13;
	s12 =	sadd.s32 $0x60, s7  }
0xa8: {  	[hbm4b:s12+s2] =	stream.linear.scatter [tilespmem:s11], [sflag:s1], $0x80, $0x38;
	[tilespmem:$0x18A00] =	vst v63  }
0xa9: {  	s12 =	sadd.s32 $0x3B8, s13  }
0xaa: {  	s13 =	sadd.s32 $0x70, s7;
	s7 =	sadd.s32 $0x1000, s7;
	s11 =	smov.u32 s14  }
0xab: {  	[hbm4b:s13+s2] =	stream.linear.scatter [tilespmem:s12], [sflag:s1], $0x80, $0x38;
	[tilespmem:$0x18A00] =	vst v63  }
0xac: {  	s0 =	sadd.s32 s8, s0  }
0xad: {  	[hbm4b:s7+s2] =	stream.linear.scatter [tilespmem:s0], [sflag:s1], $0x80, $0x38;
	[tilespmem:$0x18A00] =	vst v63  }
0xae: {  	s11 =	sadd.s32 $0x10, s7;
	s8 =	sadd.s32 $0x88, s0  }
0xaf: {  	[hbm4b:s11+s2] =	stream.linear.scatter [tilespmem:s8], [sflag:s1], $0x80, $0x38;
	[tilespmem:$0x18A00] =	vst v63  }
0xb0: {  	s12 =	sadd.s32 $0x20, s7;
	s11 =	sadd.s32 $0x110, s0  }
0xb1: {  	[hbm4b:s12+s2] =	stream.linear.scatter [tilespmem:s11], [sflag:s1], $0x80, $0x38;
	[tilespmem:$0x18A00] =	vst v63  }
0xb2: {  	s14 =	sadd.s32 $0x30, s7;
	s13 =	sadd.s32 $0x198, s0  }
0xb3: {  	[hbm4b:s14+s2] =	stream.linear.scatter [tilespmem:s13], [sflag:s1], $0x80, $0x38;
	[tilespmem:$0x18A00] =	vst v63  }
0xb4: {  	s31 =	sadd.s32 $0x40, s7;
	s29 =	sadd.s32 $0x1, s29;
	s30 =	sadd.s32 $0x220, s0  }
0xb5: {  	[hbm4b:s31+s2] =	stream.linear.scatter [tilespmem:s30], [sflag:s1], $0x80, $0x38;
	[tilespmem:$0x18A00] =	vst v63  }
0xb6: {  	p0 =	sne.s32 s29, $0xC8;
	s12 =	sadd.s32 $0x2A8, s0;
	s13 =	sadd.s32 $0x50, s7  }
0xb7: {  	[hbm4b:s13+s2] =	stream.linear.scatter [tilespmem:s12], [sflag:s1], $0x80, $0x38;
	[tilespmem:$0x18A00] =	vst v63  }
.Ltmp2:
0xb8: {  	s25 =	sadd.s32 $0x2000, s25;
	(pc) =	sbr.rel @p0 .LBB2_2-.Ltmp2, $4  }
0xb9: {  	s26 =	sadd.s32 $0x2200, s26;
	s14 =	sadd.s32 $0x330, s0;
	s30 =	sadd.s32 $0x60, s7  }
0xba: {  	[hbm4b:s30+s2] =	stream.linear.scatter [tilespmem:s14], [sflag:s1], $0x80, $0x38;
	[tilespmem:$0x18A00] =	vst v63  }
0xbb: {  	s28 =	sadd.s32 $0x8000, s28;
	s0 =	sadd.s32 $0x3B8, s0;
	s31 =	sadd.s32 $0x70, s7  }
0xbc: {  	[hbm4b:s31+s2] =	stream.linear.scatter [tilespmem:s0], [sflag:s1], $0x80, $0x38;
	[tilespmem:$0x18A00] =	vst v63  }
0xbd: {  	_ =	swait.ge [sflag:s21], $0x400  }
0xbe: {  	[sflag:s21] =	ssyncset.done $0x0  }
0xbf: {  	[sflag:s21] =	ssyncadd.s32 $0xFFFFFC00  }
0xc0: {  	_ =	swait.ge [sflag:s21], $0x400  }
0xc1: {  	[sflag:s21] =	ssyncset.done $0x0  }
0xc2: {  	[sflag:s21] =	ssyncadd.s32 $0xFFFFFC00  }
0xc3: {  	_ =	swait.ge [sflag:s21], $0x400  }
0xc4: {  	[sflag:s21] =	ssyncset.done $0x0  }
0xc5: {  	[sflag:s21] =	ssyncadd.s32 $0xFFFFFC00  }
0xc6: {  	_ =	swait.ge [sflag:s21], $0x400  }
0xc7: {  	[sflag:s21] =	ssyncset.done $0x0  }
0xc8: {  	[sflag:s21] =	ssyncadd.s32 $0xFFFFFC00  }
0xc9: {  	_ =	swait.ge [sflag:s21], $0x400  }
0xca: {  	[sflag:s21] =	ssyncset.done $0x0  }
0xcb: {  	[sflag:s21] =	ssyncadd.s32 $0xFFFFFC00  }
0xcc: {  	_ =	swait.ge [sflag:s21], $0x400  }
0xcd: {  	[sflag:s21] =	ssyncset.done $0x0  }
0xce: {  	[sflag:s21] =	ssyncadd.s32 $0xFFFFFC00  }
0xcf: {  	_ =	swait.ge [sflag:s21], $0x400  }
0xd0: {  	[sflag:s21] =	ssyncset.done $0x0  }
0xd1: {  	[sflag:s21] =	ssyncadd.s32 $0xFFFFFC00  }
0xd2: {  	_ =	swait.ge [sflag:s21], $0x400  }
0xd3: {  	[sflag:s21] =	ssyncset.done $0x0  }
0xd4: {  	[sflag:s21] =	ssyncadd.s32 $0xFFFFFC00  }
0xd5: {  	_ =	swait.ge [sflag:s22], $0x400  }
0xd6: {  	[sflag:s22] =	ssyncset.done $0x0  }
0xd7: {  	[sflag:s22] =	ssyncadd.s32 $0xFFFFFC00  }
0xd8: {  	_ =	swait.ge [sflag:s22], $0x400  }
0xd9: {  	[sflag:s22] =	ssyncset.done $0x0  }
0xda: {  	[sflag:s22] =	ssyncadd.s32 $0xFFFFFC00  }
0xdb: {  	_ =	swait.ge [sflag:s22], $0x400  }
0xdc: {  	[sflag:s22] =	ssyncset.done $0x0  }
0xdd: {  	[sflag:s22] =	ssyncadd.s32 $0xFFFFFC00  }
0xde: {  	_ =	swait.ge [sflag:s22], $0x400  }
0xdf: {  	[sflag:s22] =	ssyncset.done $0x0  }
0xe0: {  	[sflag:s22] =	ssyncadd.s32 $0xFFFFFC00  }
0xe1: {  	_ =	swait.ge [sflag:s22], $0x400  }
0xe2: {  	[sflag:s22] =	ssyncset.done $0x0  }
0xe3: {  	[sflag:s22] =	ssyncadd.s32 $0xFFFFFC00  }
0xe4: {  	_ =	swait.ge [sflag:s22], $0x400  }
0xe5: {  	[sflag:s22] =	ssyncset.done $0x0  }
0xe6: {  	[sflag:s22] =	ssyncadd.s32 $0xFFFFFC00  }
0xe7: {  	_ =	swait.ge [sflag:s22], $0x400  }
0xe8: {  	[sflag:s22] =	ssyncset.done $0x0  }
0xe9: {  	[sflag:s22] =	ssyncadd.s32 $0xFFFFFC00  }
0xea: {  	_ =	swait.ge [sflag:s22], $0x400  }
0xeb: {  	[sflag:s22] =	ssyncset.done $0x0  }
0xec: {  	[sflag:s22] =	ssyncadd.s32 $0xFFFFFC00  }
0xed: {  	_ =	swait.ge [sflag:s23], $0x400  }
0xee: {  	[sflag:s23] =	ssyncset.done $0x0  }
0xef: {  	[sflag:s23] =	ssyncadd.s32 $0xFFFFFC00  }
0xf0: {  	_ =	swait.ge [sflag:s23], $0x400  }
0xf1: {  	[sflag:s23] =	ssyncset.done $0x0  }
0xf2: {  	[sflag:s23] =	ssyncadd.s32 $0xFFFFFC00  }
0xf3: {  	_ =	swait.ge [sflag:s23], $0x400  }
0xf4: {  	[sflag:s23] =	ssyncset.done $0x0  }
0xf5: {  	[sflag:s23] =	ssyncadd.s32 $0xFFFFFC00  }
0xf6: {  	_ =	swait.ge [sflag:s23], $0x400  }
0xf7: {  	[sflag:s23] =	ssyncset.done $0x0  }
0xf8: {  	[sflag:s23] =	ssyncadd.s32 $0xFFFFFC00  }
0xf9: {  	_ =	swait.ge [sflag:s23], $0x400  }
0xfa: {  	[sflag:s23] =	ssyncset.done $0x0  }
0xfb: {  	[sflag:s23] =	ssyncadd.s32 $0xFFFFFC00  }
0xfc: {  	_ =	swait.ge [sflag:s23], $0x400  }
0xfd: {  	[sflag:s23] =	ssyncset.done $0x0  }
0xfe: {  	s24 =	sadd.s32 $0x1, s24;
	[sflag:s23] =	ssyncadd.s32 $0xFFFFFC00  }
0xff: {  	p0 =	sne.s32 s24, s5;
	_ =	swait.ge [sflag:s23], $0x400  }
.Ltmp3:
0x100: {  	[sflag:s23] =	ssyncset.done $0x0;
	(pc) =	sbr.rel @p0 .LBB2_1-.Ltmp3, $4  }
0x101: {  	[sflag:s23] =	ssyncadd.s32 $0xFFFFFC00  }
0x102: {  	_ =	swait.ge [sflag:s23], $0x400  }
0x103: {  	[sflag:s23] =	ssyncset.done $0x0  }
0x104: {  	[sflag:s23] =	ssyncadd.s32 $0xFFFFFC00  }
0x105: {  	_ =	sfence.sel $0x180000  }
0x106: {  	[bflag:$0x0] =	sbarrier.arrive $0xFFFF  }
0x107: {  	_ =	strace $0x9000004A  }
0x108: {  	s0 =	stileid.u32;
	[bflag:$0x2] =	sbarrier.arrive $0xFFFF  }
0x109: {  	p0 =	sne.s32 s0, $0x0;
	s0 =	rddreg [dreg:$0x2]  }
0x10a: {  	s0 =	sadd.s32 @!p0 $0x100000, s0  }
0x10b: {  	[sflag:s0] =	ssyncadd.tile.s32 @!p0 $0x1;
	_ =	shalt  }
.Lfunc_end2:
_tile_overlayer_lowered:
.L_overlay_start_2:
0x10c: {  	(tag) =	ssettag $0x2  }
0x10d: {  	s0 =	rddreg [dreg:$0x0];
	s2 =	stileid.u32  }
0x10e: {  	s1 =	rddreg [dreg:$0x1];
	p0 =	sne.s32 s2, $0x0  }
0x10f: {  	s3 =	rddreg [dreg:$0x2];
	[bflag:$0x3] =	sbarrier.arrive $0xFFFF;
	s2 =	simm.s32 @!p0 $0x1C0A  }
0x110: {  	[timem:s3], [sflag:s2] =	dma.local @!p0 [hbm:s0], s1  }
0x111: {  	s0 =	simm.s32 @!p0 $0xA  }
0x112: {  	_ =	swait.ge @!p0 [sflag:s0], s1  }
0x113: {  	s1 =	ssub.s32 @!p0 $0x0, s1;
	[sflag:s0] =	ssyncset.done @!p0 $0x0  }
0x114: {  	[sflag:s0] =	ssyncadd.s32 @!p0 s1  }
0x115: {  	[bflag:$0x3] =	sbarrier.arrive $0xFFFF  }
0x116: {  	_ =	shalt  }

// kernel: sparse-core-data-format-call.cloned.1.call-start
scs
called_computation_lowered:
.L_overlay_start_0:
0x0: {  	s2 =	sld [smem:$0x3FD9]  }
0x1: {  	s3 =	sld [smem:$0x3FFE];
	_ =	sdelay $0x1  }
0x2: {  	s1 =	srdreg.scid  }
0x3: {  	s0 =	sand.u32 $0x1, s1  }
0x4: {  	s18 =	sshll.u32 s0, $0xA;
	s2 =	sadd.s32 s3, s2  }
0x5: {  	s2 =	sadd.s32 s2, s18  }
0x6: {  	[smem:$0x3FC6] =	sst s2  }
0x7: {  	_ = 	snop  }
0x8: {  	s2 =	sld [smem:$0x3FC8];
	(tm) =	ssettm $0x1  }
0x9: {  	s19 =	sld [smem:$0x3FFB];
	_ =	sdelay $0x3  }
0xa: {  	_ =	strace s19  }
0xb: {  	s3 =	sld [smem:$0x3FFC];
	_ =	sdelay $0x3  }
0xc: {  	_ =	strace s3  }
0xd: {  	s3 =	sld [smem:$0x3FFD];
	_ =	sdelay $0x3  }
0xe: {  	_ =	strace s3  }
0xf: {  	_ =	strace $0x8FFFFFFF  }
0x10: {  	s20 =	sld [smem:$0x3FDB];
	_ =	sdelay $0x1  }
0x11: {  	s4 =	simm.s32 $_scs_section_size  }
0x12: {  	s5 =	simm.s32 $_size__tile_overlayer_lowered;
	s6 =	simm.s32 $_tile_overlayer_lowered  }
0x13: {  	s23 =	simm.s32 $0x1BFF;
	s22 =	sshll.u32 s6, $0x1;
	s3 =	sadd.s32 s4, s20  }
0x14: {  	s7 =	simm.s32 $0x0;
	s21 =	sshll.u32 s5, $0x1;
	s5 =	sadd.s32 s22, s3  }
0x15: {  	[timem:s7], [sflag:s23] =	dma.local [hbm:s5], s21  }
0x16: {  	_ =	swait.ge [sflag:s23], s21  }
0x17: {  	s4 =	ssub.s32 $0x0, s21;
	[sflag:s23] =	ssyncset.done $0x0  }
0x18: {  	[sflag:s23] =	ssyncadd.s32 s4;
	_ =	sdelay $0x1  }
0x19: {  	s24 =	simm.s32 $0x1B8B  }
0x1a: {  	_ =	swait.ge [sflag:s24], $0x1  }
0x1b: {  	[sflag:s24] =	ssyncset.done $0x0  }
0x1c: {  	s26 =	simm.s32 $0x1B8E;
	s25 =	sld [smem:$0x3FFE];
	[sflag:s24] =	ssyncadd.s32 $0xFFFFFFFF  }
0x1d: {  	s27 =	simm.s32 $execute0_lowered;
	[smem:$0x3FD2] =	sst s26  }
0x1e: {  	s5 =	sshll.u32 s27, $0x1;
	_ =	strace $0x80000046;
	[dreg:$0x1] =	wrdreg $0xFFFFFFFF  }
0x1f: {  	s28 =	simm.s32 $_size_execute0_lowered;
	s3 =	sadd.s32 s3, s5;
	[dreg:$0x0] =	wrdreg $0x0  }
0x20: {  	s5 =	sshll.u32 s28, $0x1;
	[dreg:$0x2] =	wrdreg s3  }
0x21: {  	[dreg:$0x3] =	wrdreg s5  }
0x22: {  	[dreg:$0x4] =	wrdreg $0xC0  }
0x23: {  	_ =	task [dreg:s7], $0x5FFFF  }
0x24: {  	[dreg:$0x1] =	wrdreg $0xFFFFFFFF  }
0x25: {  	[dreg:$0x0] =	wrdreg $0x60  }
0x26: {  	[dreg:$0x2] =	wrdreg s2  }
0x27: {  	[dreg:$0x3] =	wrdreg s25  }
0x28: {  	[dreg:$0x4] =	wrdreg $0x9  }
0x29: {  	_ =	task.clear_ibuf [dreg:s7], $0x5FFFF;
	_ =	strace $0x90000046  }
0x2a: {  	s29 =	simm.s32 $0x9;
	_ =	strace $0x80000048  }
0x2b: {  	_ =	swait.ge [sflag:s29], $0x1  }
0x2c: {  	[sflag:s29] =	ssyncadd.s32 $0xFFFFFFFF  }
0x2d: {  	_ =	strace $0x90000048  }
0x2e: {  	_ =	sfence  }
0x2f: {  	s30 =	sld [smem:$0x0];
	_ =	sdelay $0x2  }
0x30: {  	s31 =	sshll.u32 s1, $0xD;
	s1 =	sshrl.u32 s1, $0x2  }
0x31: {  	s3 =	sand.u32 $0x4000, s31;
	s1 =	sadd.s32 s1, s30  }
0x32: {  	s0 =	sor.u32 s3, s0;
	s1 =	sshll.u32 s1, $0x11  }
0x33: {  	s0 =	sor.u32 s1, s0  }
0x34: {  	s0 =	sadd.s32 $0x8F2B, s0  }
0x35: {  	[sflag:s0] =	ssyncadd.remote.s32 $0x1  }
0x36: {  	_ =	sfence.sel $0xFFFF  }
0x37: {  	[dreg:$0x0] =	wrdreg $0xFFFFFFFF;
	(pc) =	sbr.abs _section_cstart, $3  }
0x38: {  	[dreg:$0x1] =	wrdreg $0xFFFFFFFF  }
0x39: {  	_ =	task.clear_ibuf [dreg:s7], $0x2FFFF;
	_ =	strace $0x9FFFFFFF  }
0x3a: {  	(tm) =	ssettm $0x7FFFFFFF  }
0x3b: {  	_ =	shalt  }
tec
execute0_lowered:
.L_overlay_start_1:
0x0: {  	(tag) =	ssettag $0x1  }
0x1: {  	s0 =	srdreg.scid;
	s2 =	rddreg [dreg:$0x0]  }
0x2: {  	s5 =	rddreg [dreg:$0x1];
	s1 =	stileid.u32  }
0x3: {  	s4 =	simm.s32 $0x1;
	s6 =	simm.s32 $0x2;
	s15 =	simm.s32 $0x0  }
0x4: {  	p0 =	por $0x0, $0x0;
	s8 =	simm.s32 $0x80;
	s0 =	sshll.u32 s0, $0x4  }
0x5: {  	s14 =	simm.s32 $0x0;
	s9 =	simm.s32 $0x0;
	s3 =	sand.u32 $0x10, s0  }
.Ltmp0:
0x6: {  	s10 =	simm.s32 $0x0;
	s3 =	sor.u32 s1, s3;
	(pc) =	sbr.rel .LBB1_1-.Ltmp0, $4  }
0x7: {  	s0 =	rddreg [dreg:$0x2];
	_ =	strace $0x80000047;
	s3 =	sshll.u32 s3, $0x7  }
0x8: {  	s12 =	simm.s32 $0x0;
	[sflag:s4] =	ssyncpa.u1 $0x0;
	s7 =	ssub.s32 $0xF4200, s3  }
0x9: {  	s13 =	simm.s32 $0x0;
	[sflag:s6] =	ssyncpa.u1 $0x0;
	s6 =	sshrl.u32 s7, $0xC  }
0xa: {  	s5 =	sadd.s32 $0xA00, s5;
	s11 =	smov.u32 s3;
	s7 =	sadd.s32 $0x2, s6  }
.LBB1_5:
0xb: {  	p1 =	slt.u32 s13, $0x2  }
0xc: {  	s17 =	smov.u32 s15;
	p2 =	sgt.s32 @!p1 s15, $0xF41C8;
	s16 =	sshra.s32 @!p1 s15, $0x1F  }
0xd: {  	p3 =	sgt.s32 @!p1 s14, $0x40;
	s18 =	sshra.s32 @!p1 s14, $0x1F;
	p2 =	por !p2, p1  }
0xe: {  	s15 =	sand.u32 @!p1 s16, s15;
	p3 =	por !p3, p1;
	s16 =	smov.u32 s14  }
0xf: {  	s14 =	sand.u32 @!p1 s18, s14;
	s17 =	simm.s32 @p2 $0xF41C8;
	s16 =	simm.s32 @p3 $0x40  }
0x10: {  	s15 =	ssub.s32 @!p1 s17, s15;
	s14 =	ssub.s32 @!p1 s16, s14  }
0x11: {  	s18 =	smov.u32 s12;
	s16 =	sadd.s32 @!p1 $0xFFF0BE38, s15;
	s17 =	sadd.s32 @!p1 $0xFFFFFFC0, s14  }
0x12: {  	s15 =	ssub.s32 @!p1 $0xF4248, s15;
	p2 =	sgt.s32 @!p1 s16, $0x7F;
	p3 =	sgt.s32 @!p1 s17, $0x3F  }
0x13: {  	s14 =	ssub.s32 @!p1 $0x80, s14;
	p2 =	por !p2, p1;
	p3 =	por !p3, p1  }
0x14: {  	s16 =	sadd.s32 $0x1000, s11;
	s15 =	simm.s32 @!p2 $0x0;
	s14 =	simm.s32 @!p3 $0x0  }
0x15: {  	p2 =	sgt.s32 s16, $0xF4240;
	s14 =	smul.u32 @!p1 s14, s15;
	s15 =	sadd.s32 $0x40, s12  }
0x16: {  	s18 =	smov.u32 @p2 s15  }
0x17: {  	s16 =	smov.u32 @p2 s3;
	p2 =	sgt.s32 s18, $0x3F  }
0x18: {  	s18 =	simm.s32 @p2 $0x0;
	p2 =	sne.s32 s13, s7  }
.Ltmp1:
0x19: {  	p0 =	por !p0, !p0;
	s17 =	simm.s32 @!p1 $0x2;
	(pc) =	sbr.rel @!p2 .LBB1_6-.Ltmp1, $4  }
0x1a: {  	s15 =	smov.u32 s9;
	s9 =	smov.u32 s11;
	s14 =	sand.u32 @!p1 $0x3FFFFFFF, s14  }
0x1b: {  	s11 =	smov.u32 s16;
	_ =	swait.ge @!p1 [sflag:s17], s14;
	s19 =	ssub.s32 @!p1 $0x0, s14  }
0x1c: {  	s14 =	smov.u32 s10;
	s13 =	sadd.s32 $0x1, s13;
	[sflag:s17] =	ssyncset.done @!p1 $0x0  }
0x1d: {  	s10 =	smov.u32 s12;
	s12 =	smov.u32 s18;
	[sflag:s17] =	ssyncadd.s32 @!p1 s19  }
.LBB1_1:
0x1e: {  	p1 =	sgt.u32 s13, s6  }
0x1f: {  	s16 =	sshrl.u32 @!p1 s12, $0x3  }
0x20: {  	s17 =	sshll.u32 @!p1 s11, $0x3;
	s16 =	smul.u32 @!p1 $0x7A1400, s16  }
0x21: {  	s18 =	sshll.u32 @!p1 s12, $0x7;
	s17 =	sand.u32 @!p1 $0xFFFFFC00, s17  }
0x22: {  	s16 =	sadd.s32 @!p1 s16, s17;
	s17 =	sand.u32 @!p1 $0x380, s18  }
0x23: {  	s18 =	sand.u32 @!p1 $0x7F, s11;
	s16 =	sor.u32 @!p1 s17, s16  }
0x24: {  	s17 =	sor.u32 @!p1 s18, s16  }
0x25: {  	s18 =	smulhi.u32 @!p1 $0x218D6287, s17;
	_ =	sdelay $0x1  }
0x26: {  	s16 =	smulhi.u32 @!p1 $0x218D6287, s16;
	s18 =	sshrl.u32 @!p1 s18, $0x11  }
0x27: {  	s18 =	smul.u32 @!p1 $0xF4280, s18  }
0x28: {  	s19 =	sxor.u32 @!p1 $0xFFFFFFFF, s13;
	s16 =	sshrl.u32 @!p1 s16, $0x11  }
0x29: {  	s19 =	sshll.u32 @!p1 s19, $0xD;
	s16 =	sand.u32 @!p1 $0x3F, s16;
	s17 =	ssub.s32 @!p1 s17, s18  }
0x2a: {  	s16 =	smul.u32 @!p1 $0x1E850, s16;
	s18 =	sshrl.u32 @!p1 s17, $0x3;
	s17 =	sand.u32 @!p1 $0x7, s17  }
0x2b: {  	s19 =	sand.u32 @!p1 $0x2000, s19;
	s18 =	sadd.s32 @!p1 s2, s18;
	s17 =	sshll.u32 @!p1 s17, $0x12  }
0x2c: {  	s16 =	sadd.s32 @!p1 s16, s18;
	s17 =	sor.u32 @!p1 $0x400, s17;
	s18 =	simm.s32 @!p1 $0x7A1400  }
0x2d: {  	[tilespmem:s19], [sflag:$0x1] =	stream.strided.gather @!p1 [hbm4b:s16+s17], $0x2000, s18, s17, $0x38;
	[tilespmem:$0x8100] =	vst v63  }
0x2e: {  	p1 =	seq.s32 s13, $0x0  }
0x2f: {  	p2 =	sge.u32 @!p1 s13, s7  }
0x30: {  	p1 =	por p1, p2  }
.Ltmp2:
0x31: {  	_ = 	snop;
	(pc) =	sbr.rel @p1 .LBB1_5-.Ltmp2, $1  }
0x32: {  	_ =	sdelay $0x3  }
0x33: {  	s16 =	simm.s32 $0x1  }
0x34: {  	_ =	swait.ge [sflag:s4], $0x2000;
	s16 =	simm.s32 @!p0 $0x0  }
0x35: {  	[sflag:s4] =	ssyncset.done $0x0;
	s17 =	sshll.u32 s16, $0xD  }
0x36: {  	[sflag:s4] =	ssyncadd.s32 $0xFFFFE000;
	s17 =	sor.u32 $0x40, s17  }
0x37: {  	s16 =	smul.u32 $0x8200, s16;
	v0 =	vld [tilespmem:s17+$0x30]  }
0x38: {  	v1 =	vld [tilespmem:s17+$0xFFFFFFD0]  }
0x39: {  	s16 =	sshrl.u32 s16, $0x2;
	v5 =	vld [tilespmem:s17+$0xFFFFFFE0]  }
0x3a: {  	v6 =	vld [tilespmem:s17+$0xFFFFFFF0];
	s19 =	sor.u32 $0x4000, s16  }
0x3b: {  	s31 =	sand.u32 $0x1, s13;
	v4 =	vld [tilespmem:s17+$0x0];
	s18 =	sadd.s32 $0x0, s19  }
0x3c: {  	v3 =	vld [tilespmem:s17+$0x10];
	s16 =	smul.u32 $0x8200, s31;
	[tilespmem:s18+$0x1C70 ss:$0x41] =	vst.msk $0xffff, v0  }
0x3d: {  	v2 =	vld [tilespmem:s17+$0x20];
	[tilespmem:s18+$0x410 ss:$0x41] =	vst.msk $0xffff, v1  }
0x3e: {  	s16 =	sshrl.u32 s16, $0x2;
	v1 =	vld [tilespmem:s17+$0xFFFFFFC0];
	[tilespmem:s18+$0x820 ss:$0x41] =	vst.msk $0xffff, v5;
	s17 =	sadd.s32 $0x80, s17  }
0x3f: {  	s20 =	simm.s32 $0x4;
	s21 =	simm.s32 $0x8;
	s16 =	sor.u32 $0x4000, s16;
	[tilespmem:s18+$0xC30 ss:$0x41] =	vst.msk $0xffff, v6;
	v0 =	vld [tilespmem:s17+$0x30]  }
.LBB1_3:
0x40: {  	p1 =	sne.s32 s21, $0xFC;
	v5 =	vld [tilespmem:s17+$0xFFFFFFD0];
	[tilespmem:s18+$0x1040 ss:$0x41] =	vst.msk $0xffff, v4  }
0x41: {  	v6 =	vld [tilespmem:s17+$0xFFFFFFE0];
	[tilespmem:s18+$0x1450 ss:$0x41] =	vst.msk $0xffff, v3  }
0x42: {  	s22 =	sshra.s32 s20, $0x2;
	s20 =	smov.u32 s21;
	v7 =	vld [tilespmem:s17+$0xFFFFFFF0];
	[tilespmem:s18+$0x1860 ss:$0x41] =	vst.msk $0xffff, v2  }
.Ltmp3:
0x43: {  	v4 =	vld [tilespmem:s17+$0x0];
	[tilespmem:s18+$0x0 ss:$0x41] =	vst.msk $0xffff, v1;
	s18 =	sadd.s32 s22, s19;
	(pc) =	sbr.rel @p1 .LBB1_3-.Ltmp3, $4  }
0x44: {  	v3 =	vld [tilespmem:s17+$0x10];
	[tilespmem:s18+$0x1C70 ss:$0x41] =	vst.msk $0xffff, v0  }
0x45: {  	[tilespmem:s18+$0x410 ss:$0x41] =	vst.msk $0xffff, v5;
	v2 =	vld [tilespmem:s17+$0x20]  }
0x46: {  	v1 =	vld [tilespmem:s17+$0xFFFFFFC0];
	[tilespmem:s18+$0x820 ss:$0x41] =	vst.msk $0xffff, v6;
	s17 =	sadd.s32 $0x80, s17  }
0x47: {  	s21 =	sadd.s32 $0x4, s21;
	v0 =	vld [tilespmem:s17+$0x30];
	[tilespmem:s18+$0xC30 ss:$0x41] =	vst.msk $0xffff, v7  }
0x48: {  	s21 =	sshll.u32 s9, $0x7;
	s22 =	sshll.u32 s10, $0x3;
	s20 =	sshra.s32 s20, $0x2  }
0x49: {  	p1 =	sgt.s32 s9, $0xF41C8;
	s30 =	sshra.s32 s9, $0x1F;
	s25 =	sshra.s32 s10, $0x1F  }
0x4a: {  	v5 =	vld [tilespmem:s17+$0xFFFFFFD0];
	s28 =	sshrl.u32 s10, $0x3;
	s23 =	sand.u32 $0xFFFFFC00, s21;
	s22 =	sand.u32 $0xFFFFFC00, s22  }
0x4b: {  	[tilespmem:s18+$0x1040 ss:$0x41] =	vst.msk $0xffff, v4;
	v58 =	vld [tilespmem:s17+$0xFFFFFFE0];
	s21 =	sand.u32 $0x380, s21;
	s19 =	sadd.s32 s20, s19;
	s22 =	sadd.s32 s22, s23  }
0x4c: {  	v59 =	vld [tilespmem:s17+$0xFFFFFFF0];
	[tilespmem:s18+$0x1450 ss:$0x41] =	vst.msk $0xffff, v3;
	s29 =	sor.u32 s21, s22;
	s21 =	smov.u32 s9;
	s22 =	sand.u32 s30, s9  }
0x4d: {  	v60 =	vld [tilespmem:s17+$0x0];
	[tilespmem:s18+$0x1860 ss:$0x41] =	vst.msk $0xffff, v2;
	s30 =	sand.u32 $0x7, s10;
	s20 =	sshrl.u32 s29, $0x7;
	s21 =	simm.s32 @!p1 $0xF41C8  }
0x4e: {  	v61 =	vld [tilespmem:s17+$0x10];
	[tilespmem:s18+$0x0 ss:$0x41] =	vst.msk $0xffff, v1;
	p1 =	sgt.s32 s10, $0x40;
	s24 =	ssub.s32 s21, s22;
	s21 =	smov.u32 s10  }
0x4f: {  	v62 =	vld [tilespmem:s17+$0x20];
	[tilespmem:s19+$0x1C70 ss:$0x41] =	vst.msk $0xffff, v0;
	s31 =	smulhi.u32 $0x218DDDB, s20;
	s22 =	sand.u32 s25, s10;
	s21 =	simm.s32 @!p1 $0x40  }
0x50: {  	v63 =	vld [tilespmem:s17+$0xFFFFFFC0];
	[tilespmem:s19+$0x410 ss:$0x41] =	vst.msk $0xffff, v5;
	s26 =	sadd.s32 $0xFFF0BE38, s24;
	s17 =	ssub.s32 $0xF4248, s24;
	s21 =	ssub.s32 s21, s22  }
0x51: {  	[tilespmem:s19+$0x820 ss:$0x41] =	vst.msk $0xffff, v58;
	s23 =	sshrl.u32 s31, $0xD;
	p1 =	sgt.s32 s26, $0x7F;
	s27 =	sadd.s32 $0xFFFFFFC0, s21  }
0x52: {  	[tilespmem:s19+$0xC30 ss:$0x41] =	vst.msk $0xffff, v59;
	s23 =	smul.u32 $0xF4248, s23;
	s18 =	ssub.s32 $0x80, s21;
	p2 =	sgt.s32 s27, $0x3F  }
.Ltmp4:
0x53: {  	[tilespmem:s19+$0x1040 ss:$0x41] =	vst.msk $0xffff, v60;
	s17 =	simm.s32 @p1 $0x0;
	s18 =	simm.s32 @p2 $0x0;
	(pc) =	sbr.rel .LBB1_5-.Ltmp4, $4  }
0x54: {  	s29 =	sand.u32 $0xF, s28;
	[tilespmem:s19+$0x1450 ss:$0x41] =	vst.msk $0xffff, v61;
	s20 =	ssub.s32 s20, s23;
	s17 =	smul.u32 s18, s17  }
0x55: {  	[tilespmem:s19+$0x1860 ss:$0x41] =	vst.msk $0xffff, v62;
	s21 =	sshll.u32 s30, $0x12;
	s20 =	sshll.u32 s20, $0x4;
	s18 =	sadd.s32 s5, s29  }
0x56: {  	[tilespmem:s19+$0x0 ss:$0x41] =	vst.msk $0xffff, v63;
	s31 =	sor.u32 $0x40, s21;
	s18 =	sadd.s32 s20, s18;
	s17 =	sand.u32 $0x3FFFFFFF, s17  }
0x57: {  	[hbm4b:s18+s31] =	stream.strided.scatter [tilespmem:s16], [sflag:$0x2], s17, s8, s31, $0x18;
	[tilespmem:$0x8100] =	vst v63  }
.LBB1_6:
0x58: {  	_ =	sfence.sel $0x180000  }
0x59: {  	s2 =	simm.s32 $0x1;
	[bflag:$0x0] =	sbarrier.arrive $0xFFFF  }
0x5a: {  	s31 =	simm.s32 $0x2;
	[sflag:s2] =	ssyncpa.u1 $0x1  }
0x5b: {  	[sflag:s31] =	ssyncpa.u1 $0x1  }
0x5c: {  	p0 =	sne.s32 s1, $0x0;
	_ =	strace $0x90000047  }
0x5d: {  	s0 =	sadd.s32 @!p0 $0x100000, s0;
	[bflag:$0x2] =	sbarrier.arrive $0xFFFF  }
0x5e: {  	[sflag:s0] =	ssyncadd.tile.s32 @!p0 $0x1;
	_ =	shalt  }
.Lfunc_end1:
_tile_overlayer_lowered:
.L_overlay_start_2:
0x5f: {  	(tag) =	ssettag $0x2  }
0x60: {  	s0 =	rddreg [dreg:$0x0];
	s2 =	stileid.u32  }
0x61: {  	s1 =	rddreg [dreg:$0x1];
	p0 =	sne.s32 s2, $0x0  }
0x62: {  	s3 =	rddreg [dreg:$0x2];
	[bflag:$0x3] =	sbarrier.arrive $0xFFFF;
	s2 =	simm.s32 @!p0 $0x1C01  }
0x63: {  	[timem:s3], [sflag:s2] =	dma.local @!p0 [hbm:s0], s1  }
0x64: {  	s0 =	simm.s32 @!p0 $0x1  }
0x65: {  	_ =	swait.ge @!p0 [sflag:s0], s1  }
0x66: {  	s1 =	ssub.s32 @!p0 $0x0, s1;
	[sflag:s0] =	ssyncset.done @!p0 $0x0  }
0x67: {  	[sflag:s0] =	ssyncadd.s32 @!p0 s1  }
0x68: {  	[bflag:$0x3] =	sbarrier.arrive $0xFFFF  }
0x69: {  	_ =	shalt  }

</sc_bundles>
